<compile_context>
chip_gen: v7x
topology: tpu7x:2x2x1
jax: 0.10.2.dev20260603
libtpu: 0.0.44.dev20260713+nightly
codegen_flags: <defaults>
</compile_context>

<pallas_src>
import functools

import jax
import jax.numpy as jnp
from jax import lax
from jax.experimental import pallas as pl
from jax.experimental.pallas import tpu as pltpu
from jax.experimental.pallas import tpu_sc as plsc

N = 10000
D = 128
E = 160000
H = 64

NC = 2
NS = 16
C = 128
EPT = 10112
NCHUNK = EPT // C
PAD_E = EPT * NS
ACC_N = 10112
ROWS_PT = ACC_N // NS


@functools.cache
def _sc_agg():

  def body(table, src_all, dst_all, zfeat, out_sums, acc, src_v, dst_v, rows_v):
    c = lax.axis_index("c")
    s = lax.axis_index("s")

    r0 = pl.multiple_of(s * ROWS_PT, 8)
    pltpu.sync_copy(zfeat.at[pl.ds(r0, ROWS_PT)], acc.at[pl.ds(r0, ROWS_PT)])
    plsc.subcore_barrier()

    base = s * EPT

    def chunk(ci, carry):
      off = pl.multiple_of(base + ci * C, C)
      pltpu.sync_copy(src_all.at[c, pl.ds(off, C)], src_v)
      pltpu.sync_copy(dst_all.at[c, pl.ds(off, C)], dst_v)
      pltpu.sync_copy(table.at[src_v], rows_v)
      pltpu.sync_copy(rows_v, acc.at[dst_v], add=True)
      return carry

    lax.fori_loop(0, NCHUNK, chunk, 0)
    plsc.subcore_barrier()

    pltpu.sync_copy(acc.at[pl.ds(r0, ROWS_PT)], out_sums.at[c, pl.ds(r0, ROWS_PT)])

  mesh = plsc.VectorSubcoreMesh(core_axis_name="c", subcore_axis_name="s")
  return pl.kernel(
      body,
      out_type=[jax.ShapeDtypeStruct((NC, ACC_N, D), jnp.float32)],
      mesh=mesh,
      scratch_types=[
          pltpu.VMEM_SHARED((ACC_N, D), jnp.float32),
          pltpu.VMEM((C,), jnp.int32),
          pltpu.VMEM((C,), jnp.int32),
          pltpu.VMEM((C, D), jnp.float32),
      ])


@functools.cache
def _sc_deg():

  def body(dst_all, zfeat, ones_c, out_deg, acc, dst_v, ones_v):
    c = lax.axis_index("c")
    s = lax.axis_index("s")

    r0 = pl.multiple_of(s * ROWS_PT, 8)
    pltpu.sync_copy(zfeat.at[pl.ds(r0, ROWS_PT)], acc.at[pl.ds(r0, ROWS_PT)])
    pltpu.sync_copy(ones_c, ones_v)
    plsc.subcore_barrier()

    base = s * EPT

    def chunk(ci, carry):
      off = pl.multiple_of(base + ci * C, C)
      pltpu.sync_copy(dst_all.at[c, pl.ds(off, C)], dst_v)
      pltpu.sync_copy(ones_v, acc.at[dst_v], add=True)
      return carry

    lax.fori_loop(0, NCHUNK, chunk, 0)
    plsc.subcore_barrier()

    pltpu.sync_copy(acc.at[pl.ds(r0, ROWS_PT)], out_deg.at[c, pl.ds(r0, ROWS_PT)])

  mesh = plsc.VectorSubcoreMesh(core_axis_name="c", subcore_axis_name="s")
  return pl.kernel(
      body,
      out_type=[jax.ShapeDtypeStruct((NC, ACC_N, D), jnp.float32)],
      mesh=mesh,
      scratch_types=[
          pltpu.VMEM_SHARED((ACC_N, D), jnp.float32),
          pltpu.VMEM((C,), jnp.int32),
          pltpu.VMEM((C, D), jnp.float32),
      ])


_BN = 1000


def _tc_base_body(sp, sn, dp, dn, x, wp, bp, wn, bn, out):
  aggp = sp[...] / jnp.maximum(dp[:, 0:1], 1.0)
  aggn = sn[...] / jnp.maximum(dn[:, 0:1], 1.0)
  xb = x[...]
  out[:, 0:H] = jnp.tanh(aggp @ wp[0:D] + xb @ wp[D:2 * D] + bp[...])
  out[:, H:2 * H] = jnp.tanh(aggn @ wn[0:D] + xb @ wn[D:2 * D] + bn[...])


def _tc_deep_body(sp, sn, dp, dn, hcat, wp, bp, wn, bn, out):
  aggp = sp[...] / jnp.maximum(dp[:, 0:1], 1.0)
  aggn = sn[...] / jnp.maximum(dn[:, 0:1], 1.0)
  hb = hcat[...]
  out[:, 0:H] = jnp.tanh(
      aggp[:, 0:H] @ wp[0:H] + aggn[:, H:2 * H] @ wp[H:2 * H]
      + hb[:, 0:H] @ wp[2 * H:3 * H] + bp[...])
  out[:, H:2 * H] = jnp.tanh(
      aggn[:, 0:H] @ wn[H:2 * H] + aggp[:, H:2 * H] @ wn[0:H]
      + hb[:, H:2 * H] @ wn[2 * H:3 * H] + bn[...])


def _row_block(feat):
  return pl.BlockSpec((_BN, feat), lambda i: (i, 0))


def _full_block(shape):
  return pl.BlockSpec(shape, lambda i: (0,) * len(shape))


def _make_tc(body, kdim):
  return pl.pallas_call(
      body,
      grid=(N // _BN,),
      in_specs=[
          _row_block(D), _row_block(D), _row_block(D), _row_block(D),
          _row_block(D),
          _full_block((kdim, H)), _full_block((1, H)),
          _full_block((kdim, H)), _full_block((1, H)),
      ],
      out_specs=_row_block(D),
      out_shape=jax.ShapeDtypeStruct((N, D), jnp.float32),
  )


_tc_base = _make_tc(_tc_base_body, 2 * D)
_tc_deep = _make_tc(_tc_deep_body, 3 * H)


def kernel(positive_edges, negative_edges, pos_adj, neg_adj, X,
           W_pos_base, b_pos_base, W_neg_base, b_neg_base,
           W_pos_deep, b_pos_deep, W_neg_deep, b_neg_deep):
  del pos_adj, neg_adj
  pad = PAD_E - E
  pad_src = jnp.zeros((1, pad), jnp.int32)
  pad_dst = jnp.full((1, pad), N, jnp.int32)
  srcs = jnp.stack([positive_edges[0], negative_edges[0]])
  dsts = jnp.stack([positive_edges[1], negative_edges[1]])
  src_all = jnp.concatenate([srcs, jnp.broadcast_to(pad_src, (NC, pad))], axis=1)
  dst_all = jnp.concatenate([dsts, jnp.broadcast_to(pad_dst, (NC, pad))], axis=1)

  zfeat = jnp.zeros((ACC_N, D), jnp.float32)
  ones_c = jnp.ones((C, D), jnp.float32)

  (deg,) = _sc_deg()(dst_all, zfeat, ones_c)
  (sums1,) = _sc_agg()(X, src_all, dst_all, zfeat)
  hcat = _tc_base(sums1[0], sums1[1], deg[0], deg[1], X,
                  W_pos_base, b_pos_base.reshape(1, H),
                  W_neg_base, b_neg_base.reshape(1, H))
  (sums2,) = _sc_agg()(hcat, src_all, dst_all, zfeat)
  z = _tc_deep(sums2[0], sums2[1], deg[0], deg[1], hcat,
               W_pos_deep, b_pos_deep.reshape(1, H),
               W_neg_deep, b_neg_deep.reshape(1, H))
  return z

# --- scband reference (transcript-rebuilt; emitter-appended) ---
"""Pipeline reference for scband-signed-graph-convolutional-network-28046136443242 (READ-ONLY COPY).

The authoritative reference and input builder live on the scoring server;
editing this copy changes nothing except your own understanding.
"""

import jax, jax.numpy as jnp
import numpy as np

N = 10000
D = 128
E = 160000
H = 64


def mean_agg(x, edges):
    src = edges[0]
    dst = edges[1]
    msg = jnp.take(x, src, axis=0)
    summed = jax.ops.segment_sum(msg, dst, num_segments=N)
    deg = jax.ops.segment_sum(jnp.ones((dst.shape[0],), x.dtype), dst, num_segments=N)
    return summed / jnp.clip(deg, 1.0, None)[:, None]


def setup_inputs(seed: int = 0) -> dict:
    key = jax.random.key(seed)
    ks = jax.random.split(key, 16)
    positive_edges = jax.random.randint(ks[0], (2, E), 0, N, dtype=jnp.int32)
    negative_edges = jax.random.randint(ks[1], (2, E), 0, N, dtype=jnp.int32)
    pos_adj = jax.random.uniform(ks[2], (N, N), dtype=jnp.float32)
    neg_adj = jax.random.uniform(ks[3], (N, N), dtype=jnp.float32)
    X = jax.random.normal(ks[4], (N, D), dtype=jnp.float32)
    # base aggregators: in = 2*D -> out = H
    W_pos_base = jax.random.normal(ks[5], (2 * D, H), dtype=jnp.float32) * 0.05
    b_pos_base = jnp.zeros((H,), dtype=jnp.float32)
    W_neg_base = jax.random.normal(ks[6], (2 * D, H), dtype=jnp.float32) * 0.05
    b_neg_base = jnp.zeros((H,), dtype=jnp.float32)
    # deep aggregators: in = 3*H -> out = H
    W_pos_deep = jax.random.normal(ks[7], (3 * H, H), dtype=jnp.float32) * 0.05
    b_pos_deep = jnp.zeros((H,), dtype=jnp.float32)
    W_neg_deep = jax.random.normal(ks[8], (3 * H, H), dtype=jnp.float32) * 0.05
    b_neg_deep = jnp.zeros((H,), dtype=jnp.float32)
    return {
        "positive_edges": positive_edges,
        "negative_edges": negative_edges,
        "pos_adj": pos_adj,
        "neg_adj": neg_adj,
        "X": X,
        "W_pos_base": W_pos_base,
        "b_pos_base": b_pos_base,
        "W_neg_base": W_neg_base,
        "b_neg_base": b_neg_base,
        "W_pos_deep": W_pos_deep,
        "b_pos_deep": b_pos_deep,
        "W_neg_deep": W_neg_deep,
        "b_neg_deep": b_neg_deep,
    }


def reference(positive_edges, negative_edges, pos_adj, neg_adj, X,
              W_pos_base, b_pos_base, W_neg_base, b_neg_base,
              W_pos_deep, b_pos_deep, W_neg_deep, b_neg_deep):
    # NOTE: pos_adj/neg_adj are used in the torch forward only to build the
    # 'noconnected' dictionary (side-effect bookkeeping for negative sampling);
    # they do not influence the returned embedding z.
    # Base signed SAGE layers: cat([mean_agg(X, edges), X]) @ W
    h_pos0 = jnp.tanh(jnp.concatenate([mean_agg(X, positive_edges), X], axis=1) @ W_pos_base + b_pos_base)
    h_neg0 = jnp.tanh(jnp.concatenate([mean_agg(X, negative_edges), X], axis=1) @ W_neg_base + b_neg_base)
    # Deep signed SAGE layers (balance-theory style):
    t_pos = jnp.tanh(jnp.concatenate([
        mean_agg(h_pos0, positive_edges),
        mean_agg(h_neg0, negative_edges),
        h_pos0,
    ], axis=1) @ W_pos_deep + b_pos_deep)
    t_neg = jnp.tanh(jnp.concatenate([
        mean_agg(h_neg0, positive_edges),
        mean_agg(h_pos0, negative_edges),
        h_neg0,
    ], axis=1) @ W_neg_deep + b_neg_deep)
    z = jnp.concatenate([t_pos, t_neg], axis=1)
    return z

if __name__ == "__main__":
    import jax
    _d = setup_inputs()
    print(jax.jit(kernel)(*tuple(_d.values())))

</pallas_src>

<mosaic_0001>
#map = affine_map<(d0, d1) -> (0, 0)>
#map1 = affine_map<(d0, d1) -> (0, 0, 0)>
module attributes {stable_mosaic.version = 14 : i64} {
  func.func @body(%arg0: i32, %arg1: i32, %arg2: memref<2x161792xi32, #tpu.memory_space<hbm>>, %arg3: memref<10112x128xf32, #tpu.memory_space<hbm>>, %arg4: memref<128x128xf32, #tpu.memory_space<hbm>>, %arg5: memref<2x10112x128xf32, #tpu.memory_space<hbm>>, %arg6: memref<10112x128xf32, #tpu.memory_space<vmem_shared>>, %arg7: memref<128xi32, #tpu.memory_space<vmem>>, %arg8: memref<128x128xf32, #tpu.memory_space<vmem>>) attributes {dimension_semantics = [#tpu.dimension_semantics<core_parallel>, #tpu.dimension_semantics<subcore_parallel>], iteration_bounds = array<i64: 2, 16>, scalar_prefetch = 0 : i64, scratch_operands = 3 : i64, tpu.core_type = #tpu.core_type<sc_vector_subcore>, window_params = [{transform_indices = #map}, {transform_indices = #map}, {transform_indices = #map}, {transform_indices = #map1}]} {
    %mul3A = arith.constant 632 : i32
    %mul3A_0 = arith.muli %arg1, %mul3A : i32
    %multiple_of3A = tpu.assume_multiple %mul3A_0, 8 : i32
    "tpu.region"() ({
      %run_scoped3A = tpu.sem_alloc : memref<!tpu.dma_semaphore, #tpu.memory_space<semaphore_mem>>
      %dma_start3A = arith.constant 0 : i32
      %dma_start3A_9 = tpu.memref_slice %arg6[%multiple_of3A, %dma_start3A] : memref<10112x128xf32, #tpu.memory_space<vmem_shared>> -> memref<632x128xf32, #tpu.memory_space<vmem_shared>>
      %dma_start3A_10 = arith.constant 0 : i32
      %dma_start3A_11 = tpu.memref_slice %arg3[%multiple_of3A, %dma_start3A_10] : memref<10112x128xf32, #tpu.memory_space<hbm>> -> memref<632x128xf32, #tpu.memory_space<hbm>>
      tpu.enqueue_dma source(%dma_start3A_11 : memref<632x128xf32, #tpu.memory_space<hbm>>) target(%dma_start3A_9 : memref<632x128xf32, #tpu.memory_space<vmem_shared>>) target_semaphore(%run_scoped3A : memref<!tpu.dma_semaphore, #tpu.memory_space<semaphore_mem>>)
      %dma_wait3A = arith.constant 0 : i32
      %dma_wait3A_12 = tpu.memref_slice %arg6[%multiple_of3A, %dma_wait3A] : memref<10112x128xf32, #tpu.memory_space<vmem_shared>> -> memref<632x128xf32, #tpu.memory_space<vmem_shared>>
      %dma_wait3A_13 = arith.constant 0 : i32
      %dma_wait3A_14 = tpu.memref_slice %arg3[%multiple_of3A, %dma_wait3A_13] : memref<10112x128xf32, #tpu.memory_space<hbm>> -> memref<632x128xf32, #tpu.memory_space<hbm>>
      tpu.wait_dma2 semaphore(%run_scoped3A : memref<!tpu.dma_semaphore, #tpu.memory_space<semaphore_mem>>) src(%dma_wait3A_14 : memref<632x128xf32, #tpu.memory_space<hbm>>) dst(%dma_wait3A_12 : memref<632x128xf32, #tpu.memory_space<vmem_shared>>)
      tpu.yield
    }) : () -> ()
    "tpu.region"() ({
      %run_scoped3A = tpu.sem_alloc : memref<!tpu.dma_semaphore, #tpu.memory_space<semaphore_mem>>
      tpu.enqueue_dma source(%arg4 : memref<128x128xf32, #tpu.memory_space<hbm>>) target(%arg8 : memref<128x128xf32, #tpu.memory_space<vmem>>) target_semaphore(%run_scoped3A : memref<!tpu.dma_semaphore, #tpu.memory_space<semaphore_mem>>)
      tpu.wait_dma2 semaphore(%run_scoped3A : memref<!tpu.dma_semaphore, #tpu.memory_space<semaphore_mem>>) src(%arg4 : memref<128x128xf32, #tpu.memory_space<hbm>>) dst(%arg8 : memref<128x128xf32, #tpu.memory_space<vmem>>)
      tpu.yield
    }) : () -> ()
    %barrier3A = arith.constant 0 : index
    tpu.barrier barrier_id(%barrier3A)
    %mul3A_1 = arith.constant 10112 : i32
    %mul3A_2 = arith.muli %arg1, %mul3A_1 : i32
    %scan3A = arith.constant 0 : i32
    %scan3A_3 = arith.constant 0 : i32
    %scan3A_4 = arith.constant 79 : i32
    %scan3A_5 = arith.addi %scan3A_3, %scan3A_4 : i32
    %scan3A_6 = arith.constant 1 : i32
    scf.for %scan3A_9 = %scan3A_3 to %scan3A_5 step %scan3A_6  : i32 {
      %mul3A_10 = arith.constant 128 : i32
      %mul3A_11 = arith.muli %scan3A_9, %mul3A_10 : i32
      %add3A = arith.addi %mul3A_2, %mul3A_11 : i32
      %multiple_of3A_12 = tpu.assume_multiple %add3A, 128 : i32
      "tpu.region"() ({
        %run_scoped3A = tpu.sem_alloc : memref<!tpu.dma_semaphore, #tpu.memory_space<semaphore_mem>>
        %dma_start3A = tpu.memref_slice %arg2[%arg0, %multiple_of3A_12] : memref<2x161792xi32, #tpu.memory_space<hbm>> -> memref<1x128xi32, #tpu.memory_space<hbm>>
        %dma_start3A_13 = tpu.memref_squeeze %dma_start3A : memref<1x128xi32, #tpu.memory_space<hbm>> -> memref<128xi32, #tpu.memory_space<hbm>>
        %dma_start3A_14 = tpu.memref_slice %arg2[%arg0, %multiple_of3A_12] : memref<2x161792xi32, #tpu.memory_space<hbm>> -> memref<1x128xi32, #tpu.memory_space<hbm>>
        %dma_start3A_15 = tpu.memref_squeeze %dma_start3A_14 : memref<1x128xi32, #tpu.memory_space<hbm>> -> memref<128xi32, #tpu.memory_space<hbm>>
        tpu.enqueue_dma source(%dma_start3A_15 : memref<128xi32, #tpu.memory_space<hbm>>) target(%arg7 : memref<128xi32, #tpu.memory_space<vmem>>) target_semaphore(%run_scoped3A : memref<!tpu.dma_semaphore, #tpu.memory_space<semaphore_mem>>)
        %dma_wait3A = tpu.memref_slice %arg2[%arg0, %multiple_of3A_12] : memref<2x161792xi32, #tpu.memory_space<hbm>> -> memref<1x128xi32, #tpu.memory_space<hbm>>
        %dma_wait3A_16 = tpu.memref_squeeze %dma_wait3A : memref<1x128xi32, #tpu.memory_space<hbm>> -> memref<128xi32, #tpu.memory_space<hbm>>
        %dma_wait3A_17 = tpu.memref_slice %arg2[%arg0, %multiple_of3A_12] : memref<2x161792xi32, #tpu.memory_space<hbm>> -> memref<1x128xi32, #tpu.memory_space<hbm>>
        %dma_wait3A_18 = tpu.memref_squeeze %dma_wait3A_17 : memref<1x128xi32, #tpu.memory_space<hbm>> -> memref<128xi32, #tpu.memory_space<hbm>>
        tpu.wait_dma2 semaphore(%run_scoped3A : memref<!tpu.dma_semaphore, #tpu.memory_space<semaphore_mem>>) src(%dma_wait3A_18 : memref<128xi32, #tpu.memory_space<hbm>>) dst(%arg7 : memref<128xi32, #tpu.memory_space<vmem>>)
        tpu.yield
      }) : () -> ()
      "tpu.region"() ({
        %run_scoped3A = tpu.sem_alloc : memref<!tpu.dma_semaphore, #tpu.memory_space<semaphore_mem>>
        %dma_start3A = arith.constant 0 : i32
        %dma_start3A_13 = arith.constant 0 : i32
        %dma_start3A_14 = tpu.memref_slice %arg6[%dma_start3A, %dma_start3A_13] : memref<10112x128xf32, #tpu.memory_space<vmem_shared>> -> memref<10112x128xf32, #tpu.memory_space<vmem_shared>>
        tpu.enqueue_indirect_dma source(%arg8 : memref<128x128xf32, #tpu.memory_space<vmem>>) target(%dma_start3A_14 : memref<10112x128xf32, #tpu.memory_space<vmem_shared>>) offsets(%arg7 : memref<128xi32, #tpu.memory_space<vmem>>) semaphore(%run_scoped3A : memref<!tpu.dma_semaphore, #tpu.memory_space<semaphore_mem>>) {add = true}
        %dma_wait3A = arith.constant 0 : i32
        %dma_wait3A_15 = arith.constant 0 : i32
        %dma_wait3A_16 = tpu.memref_slice %arg6[%dma_wait3A, %dma_wait3A_15] : memref<10112x128xf32, #tpu.memory_space<vmem_shared>> -> memref<10112x128xf32, #tpu.memory_space<vmem_shared>>
        tpu.wait_indirect_dma semaphore(%run_scoped3A : memref<!tpu.dma_semaphore, #tpu.memory_space<semaphore_mem>>) src(%arg8 : memref<128x128xf32, #tpu.memory_space<vmem>>) dst(%dma_wait3A_16 : memref<10112x128xf32, #tpu.memory_space<vmem_shared>>)
        tpu.yield
      }) : () -> ()
    }
    %scan3A_7 = arith.constant 79 : i32
    %barrier3A_8 = arith.constant 0 : index
    tpu.barrier barrier_id(%barrier3A_8)
    "tpu.region"() ({
      %run_scoped3A = tpu.sem_alloc : memref<!tpu.dma_semaphore, #tpu.memory_space<semaphore_mem>>
      %dma_start3A = arith.constant 0 : i32
      %dma_start3A_9 = tpu.memref_slice %arg5[%arg0, %multiple_of3A, %dma_start3A] : memref<2x10112x128xf32, #tpu.memory_space<hbm>> -> memref<1x632x128xf32, #tpu.memory_space<hbm>>
      %dma_start3A_10 = tpu.memref_squeeze %dma_start3A_9 : memref<1x632x128xf32, #tpu.memory_space<hbm>> -> memref<632x128xf32, #tpu.memory_space<hbm>>
      %dma_start3A_11 = arith.constant 0 : i32
      %dma_start3A_12 = tpu.memref_slice %arg6[%multiple_of3A, %dma_start3A_11] : memref<10112x128xf32, #tpu.memory_space<vmem_shared>> -> memref<632x128xf32, #tpu.memory_space<vmem_shared>>
      tpu.enqueue_dma source(%dma_start3A_12 : memref<632x128xf32, #tpu.memory_space<vmem_shared>>) target(%dma_start3A_10 : memref<632x128xf32, #tpu.memory_space<hbm>>) target_semaphore(%run_scoped3A : memref<!tpu.dma_semaphore, #tpu.memory_space<semaphore_mem>>)
      %dma_wait3A = arith.constant 0 : i32
      %dma_wait3A_13 = tpu.memref_slice %arg5[%arg0, %multiple_of3A, %dma_wait3A] : memref<2x10112x128xf32, #tpu.memory_space<hbm>> -> memref<1x632x128xf32, #tpu.memory_space<hbm>>
      %dma_wait3A_14 = tpu.memref_squeeze %dma_wait3A_13 : memref<1x632x128xf32, #tpu.memory_space<hbm>> -> memref<632x128xf32, #tpu.memory_space<hbm>>
      %dma_wait3A_15 = arith.constant 0 : i32
      %dma_wait3A_16 = tpu.memref_slice %arg6[%multiple_of3A, %dma_wait3A_15] : memref<10112x128xf32, #tpu.memory_space<vmem_shared>> -> memref<632x128xf32, #tpu.memory_space<vmem_shared>>
      tpu.wait_dma2 semaphore(%run_scoped3A : memref<!tpu.dma_semaphore, #tpu.memory_space<semaphore_mem>>) src(%dma_wait3A_16 : memref<632x128xf32, #tpu.memory_space<vmem_shared>>) dst(%dma_wait3A_14 : memref<632x128xf32, #tpu.memory_space<hbm>>)
      tpu.yield
    }) : () -> ()
    return
  }
}

#map = affine_map<(d0, d1) -> (0, 0)>
#map1 = affine_map<(d0, d1) -> (0, 0, 0)>
module attributes {stable_mosaic.version = 14 : i64} {
  func.func @body(%arg0: i32, %arg1: i32, %arg2: memref<10000x128xf32, #tpu.memory_space<hbm>>, %arg3: memref<2x161792xi32, #tpu.memory_space<hbm>>, %arg4: memref<2x161792xi32, #tpu.memory_space<hbm>>, %arg5: memref<10112x128xf32, #tpu.memory_space<hbm>>, %arg6: memref<2x10112x128xf32, #tpu.memory_space<hbm>>, %arg7: memref<10112x128xf32, #tpu.memory_space<vmem_shared>>, %arg8: memref<128xi32, #tpu.memory_space<vmem>>, %arg9: memref<128xi32, #tpu.memory_space<vmem>>, %arg10: memref<128x128xf32, #tpu.memory_space<vmem>>) attributes {dimension_semantics = [#tpu.dimension_semantics<core_parallel>, #tpu.dimension_semantics<subcore_parallel>], iteration_bounds = array<i64: 2, 16>, scalar_prefetch = 0 : i64, scratch_operands = 4 : i64, tpu.core_type = #tpu.core_type<sc_vector_subcore>, window_params = [{transform_indices = #map}, {transform_indices = #map}, {transform_indices = #map}, {transform_indices = #map}, {transform_indices = #map1}]} {
    %mul3A = arith.constant 632 : i32
    %mul3A_0 = arith.muli %arg1, %mul3A : i32
    %multiple_of3A = tpu.assume_multiple %mul3A_0, 8 : i32
    "tpu.region"() ({
      %run_scoped3A = tpu.sem_alloc : memref<!tpu.dma_semaphore, #tpu.memory_space<semaphore_mem>>
      %dma_start3A = arith.constant 0 : i32
      %dma_start3A_9 = tpu.memref_slice %arg7[%multiple_of3A, %dma_start3A] : memref<10112x128xf32, #tpu.memory_space<vmem_shared>> -> memref<632x128xf32, #tpu.memory_space<vmem_shared>>
      %dma_start3A_10 = arith.constant 0 : i32
      %dma_start3A_11 = tpu.memref_slice %arg5[%multiple_of3A, %dma_start3A_10] : memref<10112x128xf32, #tpu.memory_space<hbm>> -> memref<632x128xf32, #tpu.memory_space<hbm>>
      tpu.enqueue_dma source(%dma_start3A_11 : memref<632x128xf32, #tpu.memory_space<hbm>>) target(%dma_start3A_9 : memref<632x128xf32, #tpu.memory_space<vmem_shared>>) target_semaphore(%run_scoped3A : memref<!tpu.dma_semaphore, #tpu.memory_space<semaphore_mem>>)
      %dma_wait3A = arith.constant 0 : i32
      %dma_wait3A_12 = tpu.memref_slice %arg7[%multiple_of3A, %dma_wait3A] : memref<10112x128xf32, #tpu.memory_space<vmem_shared>> -> memref<632x128xf32, #tpu.memory_space<vmem_shared>>
      %dma_wait3A_13 = arith.constant 0 : i32
      %dma_wait3A_14 = tpu.memref_slice %arg5[%multiple_of3A, %dma_wait3A_13] : memref<10112x128xf32, #tpu.memory_space<hbm>> -> memref<632x128xf32, #tpu.memory_space<hbm>>
      tpu.wait_dma2 semaphore(%run_scoped3A : memref<!tpu.dma_semaphore, #tpu.memory_space<semaphore_mem>>) src(%dma_wait3A_14 : memref<632x128xf32, #tpu.memory_space<hbm>>) dst(%dma_wait3A_12 : memref<632x128xf32, #tpu.memory_space<vmem_shared>>)
      tpu.yield
    }) : () -> ()
    %barrier3A = arith.constant 0 : index
    tpu.barrier barrier_id(%barrier3A)
    %mul3A_1 = arith.constant 10112 : i32
    %mul3A_2 = arith.muli %arg1, %mul3A_1 : i32
    %scan3A = arith.constant 0 : i32
    %scan3A_3 = arith.constant 0 : i32
    %scan3A_4 = arith.constant 79 : i32
    %scan3A_5 = arith.addi %scan3A_3, %scan3A_4 : i32
    %scan3A_6 = arith.constant 1 : i32
    scf.for %scan3A_9 = %scan3A_3 to %scan3A_5 step %scan3A_6  : i32 {
      %mul3A_10 = arith.constant 128 : i32
      %mul3A_11 = arith.muli %scan3A_9, %mul3A_10 : i32
      %add3A = arith.addi %mul3A_2, %mul3A_11 : i32
      %multiple_of3A_12 = tpu.assume_multiple %add3A, 128 : i32
      "tpu.region"() ({
        %run_scoped3A = tpu.sem_alloc : memref<!tpu.dma_semaphore, #tpu.memory_space<semaphore_mem>>
        %dma_start3A = tpu.memref_slice %arg3[%arg0, %multiple_of3A_12] : memref<2x161792xi32, #tpu.memory_space<hbm>> -> memref<1x128xi32, #tpu.memory_space<hbm>>
        %dma_start3A_13 = tpu.memref_squeeze %dma_start3A : memref<1x128xi32, #tpu.memory_space<hbm>> -> memref<128xi32, #tpu.memory_space<hbm>>
        %dma_start3A_14 = tpu.memref_slice %arg3[%arg0, %multiple_of3A_12] : memref<2x161792xi32, #tpu.memory_space<hbm>> -> memref<1x128xi32, #tpu.memory_space<hbm>>
        %dma_start3A_15 = tpu.memref_squeeze %dma_start3A_14 : memref<1x128xi32, #tpu.memory_space<hbm>> -> memref<128xi32, #tpu.memory_space<hbm>>
        tpu.enqueue_dma source(%dma_start3A_15 : memref<128xi32, #tpu.memory_space<hbm>>) target(%arg8 : memref<128xi32, #tpu.memory_space<vmem>>) target_semaphore(%run_scoped3A : memref<!tpu.dma_semaphore, #tpu.memory_space<semaphore_mem>>)
        %dma_wait3A = tpu.memref_slice %arg3[%arg0, %multiple_of3A_12] : memref<2x161792xi32, #tpu.memory_space<hbm>> -> memref<1x128xi32, #tpu.memory_space<hbm>>
        %dma_wait3A_16 = tpu.memref_squeeze %dma_wait3A : memref<1x128xi32, #tpu.memory_space<hbm>> -> memref<128xi32, #tpu.memory_space<hbm>>
        %dma_wait3A_17 = tpu.memref_slice %arg3[%arg0, %multiple_of3A_12] : memref<2x161792xi32, #tpu.memory_space<hbm>> -> memref<1x128xi32, #tpu.memory_space<hbm>>
        %dma_wait3A_18 = tpu.memref_squeeze %dma_wait3A_17 : memref<1x128xi32, #tpu.memory_space<hbm>> -> memref<128xi32, #tpu.memory_space<hbm>>
        tpu.wait_dma2 semaphore(%run_scoped3A : memref<!tpu.dma_semaphore, #tpu.memory_space<semaphore_mem>>) src(%dma_wait3A_18 : memref<128xi32, #tpu.memory_space<hbm>>) dst(%arg8 : memref<128xi32, #tpu.memory_space<vmem>>)
        tpu.yield
      }) : () -> ()
      "tpu.region"() ({
        %run_scoped3A = tpu.sem_alloc : memref<!tpu.dma_semaphore, #tpu.memory_space<semaphore_mem>>
        %dma_start3A = tpu.memref_slice %arg4[%arg0, %multiple_of3A_12] : memref<2x161792xi32, #tpu.memory_space<hbm>> -> memref<1x128xi32, #tpu.memory_space<hbm>>
        %dma_start3A_13 = tpu.memref_squeeze %dma_start3A : memref<1x128xi32, #tpu.memory_space<hbm>> -> memref<128xi32, #tpu.memory_space<hbm>>
        %dma_start3A_14 = tpu.memref_slice %arg4[%arg0, %multiple_of3A_12] : memref<2x161792xi32, #tpu.memory_space<hbm>> -> memref<1x128xi32, #tpu.memory_space<hbm>>
        %dma_start3A_15 = tpu.memref_squeeze %dma_start3A_14 : memref<1x128xi32, #tpu.memory_space<hbm>> -> memref<128xi32, #tpu.memory_space<hbm>>
        tpu.enqueue_dma source(%dma_start3A_15 : memref<128xi32, #tpu.memory_space<hbm>>) target(%arg9 : memref<128xi32, #tpu.memory_space<vmem>>) target_semaphore(%run_scoped3A : memref<!tpu.dma_semaphore, #tpu.memory_space<semaphore_mem>>)
        %dma_wait3A = tpu.memref_slice %arg4[%arg0, %multiple_of3A_12] : memref<2x161792xi32, #tpu.memory_space<hbm>> -> memref<1x128xi32, #tpu.memory_space<hbm>>
        %dma_wait3A_16 = tpu.memref_squeeze %dma_wait3A : memref<1x128xi32, #tpu.memory_space<hbm>> -> memref<128xi32, #tpu.memory_space<hbm>>
        %dma_wait3A_17 = tpu.memref_slice %arg4[%arg0, %multiple_of3A_12] : memref<2x161792xi32, #tpu.memory_space<hbm>> -> memref<1x128xi32, #tpu.memory_space<hbm>>
        %dma_wait3A_18 = tpu.memref_squeeze %dma_wait3A_17 : memref<1x128xi32, #tpu.memory_space<hbm>> -> memref<128xi32, #tpu.memory_space<hbm>>
        tpu.wait_dma2 semaphore(%run_scoped3A : memref<!tpu.dma_semaphore, #tpu.memory_space<semaphore_mem>>) src(%dma_wait3A_18 : memref<128xi32, #tpu.memory_space<hbm>>) dst(%arg9 : memref<128xi32, #tpu.memory_space<vmem>>)
        tpu.yield
      }) : () -> ()
      "tpu.region"() ({
        %run_scoped3A = tpu.sem_alloc : memref<!tpu.dma_semaphore, #tpu.memory_space<semaphore_mem>>
        %dma_start3A = arith.constant 0 : i32
        %dma_start3A_13 = arith.constant 0 : i32
        %dma_start3A_14 = tpu.memref_slice %arg2[%dma_start3A, %dma_start3A_13] : memref<10000x128xf32, #tpu.memory_space<hbm>> -> memref<10000x128xf32, #tpu.memory_space<hbm>>
        tpu.enqueue_indirect_dma source(%dma_start3A_14 : memref<10000x128xf32, #tpu.memory_space<hbm>>) target(%arg10 : memref<128x128xf32, #tpu.memory_space<vmem>>) offsets(%arg8 : memref<128xi32, #tpu.memory_space<vmem>>) semaphore(%run_scoped3A : memref<!tpu.dma_semaphore, #tpu.memory_space<semaphore_mem>>)
        %dma_wait3A = arith.constant 0 : i32
        %dma_wait3A_15 = arith.constant 0 : i32
        %dma_wait3A_16 = tpu.memref_slice %arg2[%dma_wait3A, %dma_wait3A_15] : memref<10000x128xf32, #tpu.memory_space<hbm>> -> memref<10000x128xf32, #tpu.memory_space<hbm>>
        tpu.wait_indirect_dma semaphore(%run_scoped3A : memref<!tpu.dma_semaphore, #tpu.memory_space<semaphore_mem>>) src(%dma_wait3A_16 : memref<10000x128xf32, #tpu.memory_space<hbm>>) dst(%arg10 : memref<128x128xf32, #tpu.memory_space<vmem>>)
        tpu.yield
      }) : () -> ()
      "tpu.region"() ({
        %run_scoped3A = tpu.sem_alloc : memref<!tpu.dma_semaphore, #tpu.memory_space<semaphore_mem>>
        %dma_start3A = arith.constant 0 : i32
        %dma_start3A_13 = arith.constant 0 : i32
        %dma_start3A_14 = tpu.memref_slice %arg7[%dma_start3A, %dma_start3A_13] : memref<10112x128xf32, #tpu.memory_space<vmem_shared>> -> memref<10112x128xf32, #tpu.memory_space<vmem_shared>>
        tpu.enqueue_indirect_dma source(%arg10 : memref<128x128xf32, #tpu.memory_space<vmem>>) target(%dma_start3A_14 : memref<10112x128xf32, #tpu.memory_space<vmem_shared>>) offsets(%arg9 : memref<128xi32, #tpu.memory_space<vmem>>) semaphore(%run_scoped3A : memref<!tpu.dma_semaphore, #tpu.memory_space<semaphore_mem>>) {add = true}
        %dma_wait3A = arith.constant 0 : i32
        %dma_wait3A_15 = arith.constant 0 : i32
        %dma_wait3A_16 = tpu.memref_slice %arg7[%dma_wait3A, %dma_wait3A_15] : memref<10112x128xf32, #tpu.memory_space<vmem_shared>> -> memref<10112x128xf32, #tpu.memory_space<vmem_shared>>
        tpu.wait_indirect_dma semaphore(%run_scoped3A : memref<!tpu.dma_semaphore, #tpu.memory_space<semaphore_mem>>) src(%arg10 : memref<128x128xf32, #tpu.memory_space<vmem>>) dst(%dma_wait3A_16 : memref<10112x128xf32, #tpu.memory_space<vmem_shared>>)
        tpu.yield
      }) : () -> ()
    }
    %scan3A_7 = arith.constant 79 : i32
    %barrier3A_8 = arith.constant 0 : index
    tpu.barrier barrier_id(%barrier3A_8)
    "tpu.region"() ({
      %run_scoped3A = tpu.sem_alloc : memref<!tpu.dma_semaphore, #tpu.memory_space<semaphore_mem>>
      %dma_start3A = arith.constant 0 : i32
      %dma_start3A_9 = tpu.memref_slice %arg6[%arg0, %multiple_of3A, %dma_start3A] : memref<2x10112x128xf32, #tpu.memory_space<hbm>> -> memref<1x632x128xf32, #tpu.memory_space<hbm>>
      %dma_start3A_10 = tpu.memref_squeeze %dma_start3A_9 : memref<1x632x128xf32, #tpu.memory_space<hbm>> -> memref<632x128xf32, #tpu.memory_space<hbm>>
      %dma_start3A_11 = arith.constant 0 : i32
      %dma_start3A_12 = tpu.memref_slice %arg7[%multiple_of3A, %dma_start3A_11] : memref<10112x128xf32, #tpu.memory_space<vmem_shared>> -> memref<632x128xf32, #tpu.memory_space<vmem_shared>>
      tpu.enqueue_dma source(%dma_start3A_12 : memref<632x128xf32, #tpu.memory_space<vmem_shared>>) target(%dma_start3A_10 : memref<632x128xf32, #tpu.memory_space<hbm>>) target_semaphore(%run_scoped3A : memref<!tpu.dma_semaphore, #tpu.memory_space<semaphore_mem>>)
      %dma_wait3A = arith.constant 0 : i32
      %dma_wait3A_13 = tpu.memref_slice %arg6[%arg0, %multiple_of3A, %dma_wait3A] : memref<2x10112x128xf32, #tpu.memory_space<hbm>> -> memref<1x632x128xf32, #tpu.memory_space<hbm>>
      %dma_wait3A_14 = tpu.memref_squeeze %dma_wait3A_13 : memref<1x632x128xf32, #tpu.memory_space<hbm>> -> memref<632x128xf32, #tpu.memory_space<hbm>>
      %dma_wait3A_15 = arith.constant 0 : i32
      %dma_wait3A_16 = tpu.memref_slice %arg7[%multiple_of3A, %dma_wait3A_15] : memref<10112x128xf32, #tpu.memory_space<vmem_shared>> -> memref<632x128xf32, #tpu.memory_space<vmem_shared>>
      tpu.wait_dma2 semaphore(%run_scoped3A : memref<!tpu.dma_semaphore, #tpu.memory_space<semaphore_mem>>) src(%dma_wait3A_16 : memref<632x128xf32, #tpu.memory_space<vmem_shared>>) dst(%dma_wait3A_14 : memref<632x128xf32, #tpu.memory_space<hbm>>)
      tpu.yield
    }) : () -> ()
    return
  }
}

#map = affine_map<(d0, d1) -> (0, 0)>
#map1 = affine_map<(d0, d1) -> (0, 0, 0)>
module attributes {stable_mosaic.version = 14 : i64} {
  func.func @body(%arg0: i32, %arg1: i32, %arg2: memref<10000x128xf32, #tpu.memory_space<hbm>>, %arg3: memref<2x161792xi32, #tpu.memory_space<hbm>>, %arg4: memref<2x161792xi32, #tpu.memory_space<hbm>>, %arg5: memref<10112x128xf32, #tpu.memory_space<hbm>>, %arg6: memref<2x10112x128xf32, #tpu.memory_space<hbm>>, %arg7: memref<10112x128xf32, #tpu.memory_space<vmem_shared>>, %arg8: memref<128xi32, #tpu.memory_space<vmem>>, %arg9: memref<128xi32, #tpu.memory_space<vmem>>, %arg10: memref<128x128xf32, #tpu.memory_space<vmem>>) attributes {dimension_semantics = [#tpu.dimension_semantics<core_parallel>, #tpu.dimension_semantics<subcore_parallel>], iteration_bounds = array<i64: 2, 16>, scalar_prefetch = 0 : i64, scratch_operands = 4 : i64, tpu.core_type = #tpu.core_type<sc_vector_subcore>, window_params = [{transform_indices = #map}, {transform_indices = #map}, {transform_indices = #map}, {transform_indices = #map}, {transform_indices = #map1}]} {
    %mul3A = arith.constant 632 : i32
    %mul3A_0 = arith.muli %arg1, %mul3A : i32
    %multiple_of3A = tpu.assume_multiple %mul3A_0, 8 : i32
    "tpu.region"() ({
      %run_scoped3A = tpu.sem_alloc : memref<!tpu.dma_semaphore, #tpu.memory_space<semaphore_mem>>
      %dma_start3A = arith.constant 0 : i32
      %dma_start3A_9 = tpu.memref_slice %arg7[%multiple_of3A, %dma_start3A] : memref<10112x128xf32, #tpu.memory_space<vmem_shared>> -> memref<632x128xf32, #tpu.memory_space<vmem_shared>>
      %dma_start3A_10 = arith.constant 0 : i32
      %dma_start3A_11 = tpu.memref_slice %arg5[%multiple_of3A, %dma_start3A_10] : memref<10112x128xf32, #tpu.memory_space<hbm>> -> memref<632x128xf32, #tpu.memory_space<hbm>>
      tpu.enqueue_dma source(%dma_start3A_11 : memref<632x128xf32, #tpu.memory_space<hbm>>) target(%dma_start3A_9 : memref<632x128xf32, #tpu.memory_space<vmem_shared>>) target_semaphore(%run_scoped3A : memref<!tpu.dma_semaphore, #tpu.memory_space<semaphore_mem>>)
      %dma_wait3A = arith.constant 0 : i32
      %dma_wait3A_12 = tpu.memref_slice %arg7[%multiple_of3A, %dma_wait3A] : memref<10112x128xf32, #tpu.memory_space<vmem_shared>> -> memref<632x128xf32, #tpu.memory_space<vmem_shared>>
      %dma_wait3A_13 = arith.constant 0 : i32
      %dma_wait3A_14 = tpu.memref_slice %arg5[%multiple_of3A, %dma_wait3A_13] : memref<10112x128xf32, #tpu.memory_space<hbm>> -> memref<632x128xf32, #tpu.memory_space<hbm>>
      tpu.wait_dma2 semaphore(%run_scoped3A : memref<!tpu.dma_semaphore, #tpu.memory_space<semaphore_mem>>) src(%dma_wait3A_14 : memref<632x128xf32, #tpu.memory_space<hbm>>) dst(%dma_wait3A_12 : memref<632x128xf32, #tpu.memory_space<vmem_shared>>)
      tpu.yield
    }) : () -> ()
    %barrier3A = arith.constant 0 : index
    tpu.barrier barrier_id(%barrier3A)
    %mul3A_1 = arith.constant 10112 : i32
    %mul3A_2 = arith.muli %arg1, %mul3A_1 : i32
    %scan3A = arith.constant 0 : i32
    %scan3A_3 = arith.constant 0 : i32
    %scan3A_4 = arith.constant 79 : i32
    %scan3A_5 = arith.addi %scan3A_3, %scan3A_4 : i32
    %scan3A_6 = arith.constant 1 : i32
    scf.for %scan3A_9 = %scan3A_3 to %scan3A_5 step %scan3A_6  : i32 {
      %mul3A_10 = arith.constant 128 : i32
      %mul3A_11 = arith.muli %scan3A_9, %mul3A_10 : i32
      %add3A = arith.addi %mul3A_2, %mul3A_11 : i32
      %multiple_of3A_12 = tpu.assume_multiple %add3A, 128 : i32
      "tpu.region"() ({
        %run_scoped3A = tpu.sem_alloc : memref<!tpu.dma_semaphore, #tpu.memory_space<semaphore_mem>>
        %dma_start3A = tpu.memref_slice %arg3[%arg0, %multiple_of3A_12] : memref<2x161792xi32, #tpu.memory_space<hbm>> -> memref<1x128xi32, #tpu.memory_space<hbm>>
        %dma_start3A_13 = tpu.memref_squeeze %dma_start3A : memref<1x128xi32, #tpu.memory_space<hbm>> -> memref<128xi32, #tpu.memory_space<hbm>>
        %dma_start3A_14 = tpu.memref_slice %arg3[%arg0, %multiple_of3A_12] : memref<2x161792xi32, #tpu.memory_space<hbm>> -> memref<1x128xi32, #tpu.memory_space<hbm>>
        %dma_start3A_15 = tpu.memref_squeeze %dma_start3A_14 : memref<1x128xi32, #tpu.memory_space<hbm>> -> memref<128xi32, #tpu.memory_space<hbm>>
        tpu.enqueue_dma source(%dma_start3A_15 : memref<128xi32, #tpu.memory_space<hbm>>) target(%arg8 : memref<128xi32, #tpu.memory_space<vmem>>) target_semaphore(%run_scoped3A : memref<!tpu.dma_semaphore, #tpu.memory_space<semaphore_mem>>)
        %dma_wait3A = tpu.memref_slice %arg3[%arg0, %multiple_of3A_12] : memref<2x161792xi32, #tpu.memory_space<hbm>> -> memref<1x128xi32, #tpu.memory_space<hbm>>
        %dma_wait3A_16 = tpu.memref_squeeze %dma_wait3A : memref<1x128xi32, #tpu.memory_space<hbm>> -> memref<128xi32, #tpu.memory_space<hbm>>
        %dma_wait3A_17 = tpu.memref_slice %arg3[%arg0, %multiple_of3A_12] : memref<2x161792xi32, #tpu.memory_space<hbm>> -> memref<1x128xi32, #tpu.memory_space<hbm>>
        %dma_wait3A_18 = tpu.memref_squeeze %dma_wait3A_17 : memref<1x128xi32, #tpu.memory_space<hbm>> -> memref<128xi32, #tpu.memory_space<hbm>>
        tpu.wait_dma2 semaphore(%run_scoped3A : memref<!tpu.dma_semaphore, #tpu.memory_space<semaphore_mem>>) src(%dma_wait3A_18 : memref<128xi32, #tpu.memory_space<hbm>>) dst(%arg8 : memref<128xi32, #tpu.memory_space<vmem>>)
        tpu.yield
      }) : () -> ()
      "tpu.region"() ({
        %run_scoped3A = tpu.sem_alloc : memref<!tpu.dma_semaphore, #tpu.memory_space<semaphore_mem>>
        %dma_start3A = tpu.memref_slice %arg4[%arg0, %multiple_of3A_12] : memref<2x161792xi32, #tpu.memory_space<hbm>> -> memref<1x128xi32, #tpu.memory_space<hbm>>
        %dma_start3A_13 = tpu.memref_squeeze %dma_start3A : memref<1x128xi32, #tpu.memory_space<hbm>> -> memref<128xi32, #tpu.memory_space<hbm>>
        %dma_start3A_14 = tpu.memref_slice %arg4[%arg0, %multiple_of3A_12] : memref<2x161792xi32, #tpu.memory_space<hbm>> -> memref<1x128xi32, #tpu.memory_space<hbm>>
        %dma_start3A_15 = tpu.memref_squeeze %dma_start3A_14 : memref<1x128xi32, #tpu.memory_space<hbm>> -> memref<128xi32, #tpu.memory_space<hbm>>
        tpu.enqueue_dma source(%dma_start3A_15 : memref<128xi32, #tpu.memory_space<hbm>>) target(%arg9 : memref<128xi32, #tpu.memory_space<vmem>>) target_semaphore(%run_scoped3A : memref<!tpu.dma_semaphore, #tpu.memory_space<semaphore_mem>>)
        %dma_wait3A = tpu.memref_slice %arg4[%arg0, %multiple_of3A_12] : memref<2x161792xi32, #tpu.memory_space<hbm>> -> memref<1x128xi32, #tpu.memory_space<hbm>>
        %dma_wait3A_16 = tpu.memref_squeeze %dma_wait3A : memref<1x128xi32, #tpu.memory_space<hbm>> -> memref<128xi32, #tpu.memory_space<hbm>>
        %dma_wait3A_17 = tpu.memref_slice %arg4[%arg0, %multiple_of3A_12] : memref<2x161792xi32, #tpu.memory_space<hbm>> -> memref<1x128xi32, #tpu.memory_space<hbm>>
        %dma_wait3A_18 = tpu.memref_squeeze %dma_wait3A_17 : memref<1x128xi32, #tpu.memory_space<hbm>> -> memref<128xi32, #tpu.memory_space<hbm>>
        tpu.wait_dma2 semaphore(%run_scoped3A : memref<!tpu.dma_semaphore, #tpu.memory_space<semaphore_mem>>) src(%dma_wait3A_18 : memref<128xi32, #tpu.memory_space<hbm>>) dst(%arg9 : memref<128xi32, #tpu.memory_space<vmem>>)
        tpu.yield
      }) : () -> ()
      "tpu.region"() ({
        %run_scoped3A = tpu.sem_alloc : memref<!tpu.dma_semaphore, #tpu.memory_space<semaphore_mem>>
        %dma_start3A = arith.constant 0 : i32
        %dma_start3A_13 = arith.constant 0 : i32
        %dma_start3A_14 = tpu.memref_slice %arg2[%dma_start3A, %dma_start3A_13] : memref<10000x128xf32, #tpu.memory_space<hbm>> -> memref<10000x128xf32, #tpu.memory_space<hbm>>
        tpu.enqueue_indirect_dma source(%dma_start3A_14 : memref<10000x128xf32, #tpu.memory_space<hbm>>) target(%arg10 : memref<128x128xf32, #tpu.memory_space<vmem>>) offsets(%arg8 : memref<128xi32, #tpu.memory_space<vmem>>) semaphore(%run_scoped3A : memref<!tpu.dma_semaphore, #tpu.memory_space<semaphore_mem>>)
        %dma_wait3A = arith.constant 0 : i32
        %dma_wait3A_15 = arith.constant 0 : i32
        %dma_wait3A_16 = tpu.memref_slice %arg2[%dma_wait3A, %dma_wait3A_15] : memref<10000x128xf32, #tpu.memory_space<hbm>> -> memref<10000x128xf32, #tpu.memory_space<hbm>>
        tpu.wait_indirect_dma semaphore(%run_scoped3A : memref<!tpu.dma_semaphore, #tpu.memory_space<semaphore_mem>>) src(%dma_wait3A_16 : memref<10000x128xf32, #tpu.memory_space<hbm>>) dst(%arg10 : memref<128x128xf32, #tpu.memory_space<vmem>>)
        tpu.yield
      }) : () -> ()
      "tpu.region"() ({
        %run_scoped3A = tpu.sem_alloc : memref<!tpu.dma_semaphore, #tpu.memory_space<semaphore_mem>>
        %dma_start3A = arith.constant 0 : i32
        %dma_start3A_13 = arith.constant 0 : i32
        %dma_start3A_14 = tpu.memref_slice %arg7[%dma_start3A, %dma_start3A_13] : memref<10112x128xf32, #tpu.memory_space<vmem_shared>> -> memref<10112x128xf32, #tpu.memory_space<vmem_shared>>
        tpu.enqueue_indirect_dma source(%arg10 : memref<128x128xf32, #tpu.memory_space<vmem>>) target(%dma_start3A_14 : memref<10112x128xf32, #tpu.memory_space<vmem_shared>>) offsets(%arg9 : memref<128xi32, #tpu.memory_space<vmem>>) semaphore(%run_scoped3A : memref<!tpu.dma_semaphore, #tpu.memory_space<semaphore_mem>>) {add = true}
        %dma_wait3A = arith.constant 0 : i32
        %dma_wait3A_15 = arith.constant 0 : i32
        %dma_wait3A_16 = tpu.memref_slice %arg7[%dma_wait3A, %dma_wait3A_15] : memref<10112x128xf32, #tpu.memory_space<vmem_shared>> -> memref<10112x128xf32, #tpu.memory_space<vmem_shared>>
        tpu.wait_indirect_dma semaphore(%run_scoped3A : memref<!tpu.dma_semaphore, #tpu.memory_space<semaphore_mem>>) src(%arg10 : memref<128x128xf32, #tpu.memory_space<vmem>>) dst(%dma_wait3A_16 : memref<10112x128xf32, #tpu.memory_space<vmem_shared>>)
        tpu.yield
      }) : () -> ()
    }
    %scan3A_7 = arith.constant 79 : i32
    %barrier3A_8 = arith.constant 0 : index
    tpu.barrier barrier_id(%barrier3A_8)
    "tpu.region"() ({
      %run_scoped3A = tpu.sem_alloc : memref<!tpu.dma_semaphore, #tpu.memory_space<semaphore_mem>>
      %dma_start3A = arith.constant 0 : i32
      %dma_start3A_9 = tpu.memref_slice %arg6[%arg0, %multiple_of3A, %dma_start3A] : memref<2x10112x128xf32, #tpu.memory_space<hbm>> -> memref<1x632x128xf32, #tpu.memory_space<hbm>>
      %dma_start3A_10 = tpu.memref_squeeze %dma_start3A_9 : memref<1x632x128xf32, #tpu.memory_space<hbm>> -> memref<632x128xf32, #tpu.memory_space<hbm>>
      %dma_start3A_11 = arith.constant 0 : i32
      %dma_start3A_12 = tpu.memref_slice %arg7[%multiple_of3A, %dma_start3A_11] : memref<10112x128xf32, #tpu.memory_space<vmem_shared>> -> memref<632x128xf32, #tpu.memory_space<vmem_shared>>
      tpu.enqueue_dma source(%dma_start3A_12 : memref<632x128xf32, #tpu.memory_space<vmem_shared>>) target(%dma_start3A_10 : memref<632x128xf32, #tpu.memory_space<hbm>>) target_semaphore(%run_scoped3A : memref<!tpu.dma_semaphore, #tpu.memory_space<semaphore_mem>>)
      %dma_wait3A = arith.constant 0 : i32
      %dma_wait3A_13 = tpu.memref_slice %arg6[%arg0, %multiple_of3A, %dma_wait3A] : memref<2x10112x128xf32, #tpu.memory_space<hbm>> -> memref<1x632x128xf32, #tpu.memory_space<hbm>>
      %dma_wait3A_14 = tpu.memref_squeeze %dma_wait3A_13 : memref<1x632x128xf32, #tpu.memory_space<hbm>> -> memref<632x128xf32, #tpu.memory_space<hbm>>
      %dma_wait3A_15 = arith.constant 0 : i32
      %dma_wait3A_16 = tpu.memref_slice %arg7[%multiple_of3A, %dma_wait3A_15] : memref<10112x128xf32, #tpu.memory_space<vmem_shared>> -> memref<632x128xf32, #tpu.memory_space<vmem_shared>>
      tpu.wait_dma2 semaphore(%run_scoped3A : memref<!tpu.dma_semaphore, #tpu.memory_space<semaphore_mem>>) src(%dma_wait3A_16 : memref<632x128xf32, #tpu.memory_space<vmem_shared>>) dst(%dma_wait3A_14 : memref<632x128xf32, #tpu.memory_space<hbm>>)
      tpu.yield
    }) : () -> ()
    return
  }
}

module attributes {stable_mosaic.version = 14 : i64} {
  func.func @_tc_base_body(%arg0: i32, %arg1: memref<1000x128xf32, #tpu.memory_space<vmem>>, %arg2: memref<1000x128xf32, #tpu.memory_space<vmem>>, %arg3: memref<1000x128xf32, #tpu.memory_space<vmem>>, %arg4: memref<1000x128xf32, #tpu.memory_space<vmem>>, %arg5: memref<1000x128xf32, #tpu.memory_space<vmem>>, %arg6: memref<256x64xf32, #tpu.memory_space<vmem>>, %arg7: memref<1x64xf32, #tpu.memory_space<vmem>>, %arg8: memref<256x64xf32, #tpu.memory_space<vmem>>, %arg9: memref<1x64xf32, #tpu.memory_space<vmem>>, %arg10: memref<1000x128xf32, #tpu.memory_space<vmem>>) attributes {dimension_semantics = [#tpu.dimension_semantics<arbitrary>], iteration_bounds = array<i64: 10>, scalar_prefetch = 0 : i64, scratch_operands = 0 : i64, tpu.core_type = #tpu.core_type<tc>, window_params = [{transform_indices = @transform_0, window_bounds = array<i64: 1000, 128>}, {transform_indices = @transform_1, window_bounds = array<i64: 1000, 128>}, {transform_indices = @transform_2, window_bounds = array<i64: 1000, 128>}, {transform_indices = @transform_3, window_bounds = array<i64: 1000, 128>}, {transform_indices = @transform_4, window_bounds = array<i64: 1000, 128>}, {pipeline_mode = #tpu.pipeline_mode<synchronous>, transform_indices = @transform_5, window_bounds = array<i64: 256, 64>}, {pipeline_mode = #tpu.pipeline_mode<synchronous>, transform_indices = @transform_6, window_bounds = array<i64: 1, 64>}, {pipeline_mode = #tpu.pipeline_mode<synchronous>, transform_indices = @transform_7, window_bounds = array<i64: 256, 64>}, {pipeline_mode = #tpu.pipeline_mode<synchronous>, transform_indices = @transform_8, window_bounds = array<i64: 1, 64>}, {transform_indices = @transform_9, window_bounds = array<i64: 1000, 128>}]} {
    %get3A = arith.constant 0 : index
    %get3A_0 = arith.constant 0 : index
    %get3A_1 = vector.load %arg1[%get3A, %get3A_0] : memref<1000x128xf32, #tpu.memory_space<vmem>>, vector<1000x128xf32>
    %get3A_2 = arith.constant 0 : index
    %get3A_3 = arith.constant 0 : index
    %get3A_4 = vector.load %arg3[%get3A_2, %get3A_3] : memref<1000x128xf32, #tpu.memory_space<vmem>>, vector<1000x1xf32>
    %max3A = arith.constant 1.000000e+00 : f32
    %max3A_5 = vector.broadcast %max3A : f32 to vector<1000x1xf32>
    %max3A_6 = arith.maximumf %get3A_4, %max3A_5 : vector<1000x1xf32>
    %div3A = vector.broadcast %max3A_6 : vector<1000x1xf32> to vector<1000x128xf32>
    %div3A_7 = arith.divf %get3A_1, %div3A : vector<1000x128xf32>
    %get3A_8 = arith.constant 0 : index
    %get3A_9 = arith.constant 0 : index
    %get3A_10 = vector.load %arg2[%get3A_8, %get3A_9] : memref<1000x128xf32, #tpu.memory_space<vmem>>, vector<1000x128xf32>
    %get3A_11 = arith.constant 0 : index
    %get3A_12 = arith.constant 0 : index
    %get3A_13 = vector.load %arg4[%get3A_11, %get3A_12] : memref<1000x128xf32, #tpu.memory_space<vmem>>, vector<1000x1xf32>
    %max3A_14 = arith.constant 1.000000e+00 : f32
    %max3A_15 = vector.broadcast %max3A_14 : f32 to vector<1000x1xf32>
    %max3A_16 = arith.maximumf %get3A_13, %max3A_15 : vector<1000x1xf32>
    %div3A_17 = vector.broadcast %max3A_16 : vector<1000x1xf32> to vector<1000x128xf32>
    %div3A_18 = arith.divf %get3A_10, %div3A_17 : vector<1000x128xf32>
    %get3A_19 = arith.constant 0 : index
    %get3A_20 = arith.constant 0 : index
    %get3A_21 = vector.load %arg5[%get3A_19, %get3A_20] : memref<1000x128xf32, #tpu.memory_space<vmem>>, vector<1000x128xf32>
    %get3A_22 = arith.constant 0 : index
    %get3A_23 = arith.constant 0 : index
    %get3A_24 = vector.load %arg6[%get3A_22, %get3A_23] : memref<256x64xf32, #tpu.memory_space<vmem>>, vector<128x64xf32>
    %dot_general3A = arith.constant dense<0.000000e+00> : vector<1000x64xf32>
    %dot_general3A_25 = tpu.matmul %div3A_7, %get3A_24, %dot_general3A {dimension_numbers = #tpu.dot_dimension_numbers<[1], [0], [0], [1], [0, 0, 1, 1], [], []>, transpose_lhs_hint = false} : vector<1000x128xf32>, vector<128x64xf32>, vector<1000x64xf32> -> vector<1000x64xf32>
    %get3A_26 = arith.constant 128 : index
    %get3A_27 = arith.constant 0 : index
    %get3A_28 = vector.load %arg6[%get3A_26, %get3A_27] : memref<256x64xf32, #tpu.memory_space<vmem>>, vector<128x64xf32>
    %dot_general3A_29 = arith.constant dense<0.000000e+00> : vector<1000x64xf32>
    %dot_general3A_30 = tpu.matmul %get3A_21, %get3A_28, %dot_general3A_29 {dimension_numbers = #tpu.dot_dimension_numbers<[1], [0], [0], [1], [0, 0, 1, 1], [], []>, transpose_lhs_hint = false} : vector<1000x128xf32>, vector<128x64xf32>, vector<1000x64xf32> -> vector<1000x64xf32>
    %add3A = arith.addf %dot_general3A_25, %dot_general3A_30 : vector<1000x64xf32>
    %get3A_31 = arith.constant 0 : index
    %get3A_32 = arith.constant 0 : index
    %get3A_33 = vector.load %arg7[%get3A_31, %get3A_32] : memref<1x64xf32, #tpu.memory_space<vmem>>, vector<1x64xf32>
    %add3A_34 = vector.broadcast %get3A_33 : vector<1x64xf32> to vector<1000x64xf32>
    %add3A_35 = arith.addf %add3A, %add3A_34 : vector<1000x64xf32>
    %tanh3A = math.tanh %add3A_35 : vector<1000x64xf32>
    %swap3A = arith.constant 0 : index
    %swap3A_36 = arith.constant 0 : index
    %swap3A_37 = vector.load %arg10[%swap3A, %swap3A_36] : memref<1000x128xf32, #tpu.memory_space<vmem>>, vector<1000x64xf32>
    tpu.vector_store %arg10[%swap3A, %swap3A_36], %tanh3A {strides = array<i32>} : memref<1000x128xf32, #tpu.memory_space<vmem>>, vector<1000x64xf32>,
    %get3A_38 = arith.constant 0 : index
    %get3A_39 = arith.constant 0 : index
    %get3A_40 = vector.load %arg8[%get3A_38, %get3A_39] : memref<256x64xf32, #tpu.memory_space<vmem>>, vector<128x64xf32>
    %dot_general3A_41 = arith.constant dense<0.000000e+00> : vector<1000x64xf32>
    %dot_general3A_42 = tpu.matmul %div3A_18, %get3A_40, %dot_general3A_41 {dimension_numbers = #tpu.dot_dimension_numbers<[1], [0], [0], [1], [0, 0, 1, 1], [], []>, transpose_lhs_hint = false} : vector<1000x128xf32>, vector<128x64xf32>, vector<1000x64xf32> -> vector<1000x64xf32>
    %get3A_43 = arith.constant 128 : index
    %get3A_44 = arith.constant 0 : index
    %get3A_45 = vector.load %arg8[%get3A_43, %get3A_44] : memref<256x64xf32, #tpu.memory_space<vmem>>, vector<128x64xf32>
    %dot_general3A_46 = arith.constant dense<0.000000e+00> : vector<1000x64xf32>
    %dot_general3A_47 = tpu.matmul %get3A_21, %get3A_45, %dot_general3A_46 {dimension_numbers = #tpu.dot_dimension_numbers<[1], [0], [0], [1], [0, 0, 1, 1], [], []>, transpose_lhs_hint = false} : vector<1000x128xf32>, vector<128x64xf32>, vector<1000x64xf32> -> vector<1000x64xf32>
    %add3A_48 = arith.addf %dot_general3A_42, %dot_general3A_47 : vector<1000x64xf32>
    %get3A_49 = arith.constant 0 : index
    %get3A_50 = arith.constant 0 : index
    %get3A_51 = vector.load %arg9[%get3A_49, %get3A_50] : memref<1x64xf32, #tpu.memory_space<vmem>>, vector<1x64xf32>
    %add3A_52 = vector.broadcast %get3A_51 : vector<1x64xf32> to vector<1000x64xf32>
    %add3A_53 = arith.addf %add3A_48, %add3A_52 : vector<1000x64xf32>
    %tanh3A_54 = math.tanh %add3A_53 : vector<1000x64xf32>
    %swap3A_55 = arith.constant 0 : index
    %swap3A_56 = arith.constant 64 : index
    %swap3A_57 = vector.load %arg10[%swap3A_55, %swap3A_56] : memref<1000x128xf32, #tpu.memory_space<vmem>>, vector<1000x64xf32>
    tpu.vector_store %arg10[%swap3A_55, %swap3A_56], %tanh3A_54 {strides = array<i32>} : memref<1000x128xf32, #tpu.memory_space<vmem>>, vector<1000x64xf32>,
    return
  }
  func.func @transform_0(%arg0: i32) -> (i32, i32) {
    %c0_i32 = arith.constant 0 : i32
    %c0_i32_0 = arith.constant 0 : i32
    return %arg0, %c0_i32 : i32, i32
  }
  func.func @transform_1(%arg0: i32) -> (i32, i32) {
    %c0_i32 = arith.constant 0 : i32
    %c0_i32_0 = arith.constant 0 : i32
    return %arg0, %c0_i32 : i32, i32
  }
  func.func @transform_2(%arg0: i32) -> (i32, i32) {
    %c0_i32 = arith.constant 0 : i32
    %c0_i32_0 = arith.constant 0 : i32
    return %arg0, %c0_i32 : i32, i32
  }
  func.func @transform_3(%arg0: i32) -> (i32, i32) {
    %c0_i32 = arith.constant 0 : i32
    %c0_i32_0 = arith.constant 0 : i32
    return %arg0, %c0_i32 : i32, i32
  }
  func.func @transform_4(%arg0: i32) -> (i32, i32) {
    %c0_i32 = arith.constant 0 : i32
    %c0_i32_0 = arith.constant 0 : i32
    return %arg0, %c0_i32 : i32, i32
  }
  func.func @transform_5(%arg0: i32) -> (i32, i32) {
    %c0_i32 = arith.constant 0 : i32
    %c0_i32_0 = arith.constant 0 : i32
    %c0_i32_1 = arith.constant 0 : i32
    return %c0_i32, %c0_i32_0 : i32, i32
  }
  func.func @transform_6(%arg0: i32) -> (i32, i32) {
    %c0_i32 = arith.constant 0 : i32
    %c0_i32_0 = arith.constant 0 : i32
    %c0_i32_1 = arith.constant 0 : i32
    return %c0_i32, %c0_i32_0 : i32, i32
  }
  func.func @transform_7(%arg0: i32) -> (i32, i32) {
    %c0_i32 = arith.constant 0 : i32
    %c0_i32_0 = arith.constant 0 : i32
    %c0_i32_1 = arith.constant 0 : i32
    return %c0_i32, %c0_i32_0 : i32, i32
  }
  func.func @transform_8(%arg0: i32) -> (i32, i32) {
    %c0_i32 = arith.constant 0 : i32
    %c0_i32_0 = arith.constant 0 : i32
    %c0_i32_1 = arith.constant 0 : i32
    return %c0_i32, %c0_i32_0 : i32, i32
  }
  func.func @transform_9(%arg0: i32) -> (i32, i32) {
    %c0_i32 = arith.constant 0 : i32
    %c0_i32_0 = arith.constant 0 : i32
    return %arg0, %c0_i32 : i32, i32
  }
}

module attributes {stable_mosaic.version = 14 : i64} {
  func.func @_tc_deep_body(%arg0: i32, %arg1: memref<1000x128xf32, #tpu.memory_space<vmem>>, %arg2: memref<1000x128xf32, #tpu.memory_space<vmem>>, %arg3: memref<1000x128xf32, #tpu.memory_space<vmem>>, %arg4: memref<1000x128xf32, #tpu.memory_space<vmem>>, %arg5: memref<1000x128xf32, #tpu.memory_space<vmem>>, %arg6: memref<192x64xf32, #tpu.memory_space<vmem>>, %arg7: memref<1x64xf32, #tpu.memory_space<vmem>>, %arg8: memref<192x64xf32, #tpu.memory_space<vmem>>, %arg9: memref<1x64xf32, #tpu.memory_space<vmem>>, %arg10: memref<1000x128xf32, #tpu.memory_space<vmem>>) attributes {dimension_semantics = [#tpu.dimension_semantics<arbitrary>], iteration_bounds = array<i64: 10>, scalar_prefetch = 0 : i64, scratch_operands = 0 : i64, tpu.core_type = #tpu.core_type<tc>, window_params = [{transform_indices = @transform_0, window_bounds = array<i64: 1000, 128>}, {transform_indices = @transform_1, window_bounds = array<i64: 1000, 128>}, {transform_indices = @transform_2, window_bounds = array<i64: 1000, 128>}, {transform_indices = @transform_3, window_bounds = array<i64: 1000, 128>}, {transform_indices = @transform_4, window_bounds = array<i64: 1000, 128>}, {pipeline_mode = #tpu.pipeline_mode<synchronous>, transform_indices = @transform_5, window_bounds = array<i64: 192, 64>}, {pipeline_mode = #tpu.pipeline_mode<synchronous>, transform_indices = @transform_6, window_bounds = array<i64: 1, 64>}, {pipeline_mode = #tpu.pipeline_mode<synchronous>, transform_indices = @transform_7, window_bounds = array<i64: 192, 64>}, {pipeline_mode = #tpu.pipeline_mode<synchronous>, transform_indices = @transform_8, window_bounds = array<i64: 1, 64>}, {transform_indices = @transform_9, window_bounds = array<i64: 1000, 128>}]} {
    %get3A = arith.constant 0 : index
    %get3A_0 = arith.constant 0 : index
    %get3A_1 = vector.load %arg1[%get3A, %get3A_0] : memref<1000x128xf32, #tpu.memory_space<vmem>>, vector<1000x128xf32>
    %get3A_2 = arith.constant 0 : index
    %get3A_3 = arith.constant 0 : index
    %get3A_4 = vector.load %arg3[%get3A_2, %get3A_3] : memref<1000x128xf32, #tpu.memory_space<vmem>>, vector<1000x1xf32>
    %max3A = arith.constant 1.000000e+00 : f32
    %max3A_5 = vector.broadcast %max3A : f32 to vector<1000x1xf32>
    %max3A_6 = arith.maximumf %get3A_4, %max3A_5 : vector<1000x1xf32>
    %div3A = vector.broadcast %max3A_6 : vector<1000x1xf32> to vector<1000x128xf32>
    %div3A_7 = arith.divf %get3A_1, %div3A : vector<1000x128xf32>
    %get3A_8 = arith.constant 0 : index
    %get3A_9 = arith.constant 0 : index
    %get3A_10 = vector.load %arg2[%get3A_8, %get3A_9] : memref<1000x128xf32, #tpu.memory_space<vmem>>, vector<1000x128xf32>
    %get3A_11 = arith.constant 0 : index
    %get3A_12 = arith.constant 0 : index
    %get3A_13 = vector.load %arg4[%get3A_11, %get3A_12] : memref<1000x128xf32, #tpu.memory_space<vmem>>, vector<1000x1xf32>
    %max3A_14 = arith.constant 1.000000e+00 : f32
    %max3A_15 = vector.broadcast %max3A_14 : f32 to vector<1000x1xf32>
    %max3A_16 = arith.maximumf %get3A_13, %max3A_15 : vector<1000x1xf32>
    %div3A_17 = vector.broadcast %max3A_16 : vector<1000x1xf32> to vector<1000x128xf32>
    %div3A_18 = arith.divf %get3A_10, %div3A_17 : vector<1000x128xf32>
    %get3A_19 = arith.constant 0 : index
    %get3A_20 = arith.constant 0 : index
    %get3A_21 = vector.load %arg5[%get3A_19, %get3A_20] : memref<1000x128xf32, #tpu.memory_space<vmem>>, vector<1000x128xf32>
    %slice3A = vector.extract_strided_slice %div3A_7 {offsets = [0, 0], sizes = [1000, 64], strides = [1, 1]} : vector<1000x128xf32> to vector<1000x64xf32>
    %get3A_22 = arith.constant 0 : index
    %get3A_23 = arith.constant 0 : index
    %get3A_24 = vector.load %arg6[%get3A_22, %get3A_23] : memref<192x64xf32, #tpu.memory_space<vmem>>, vector<64x64xf32>
    %dot_general3A = arith.constant dense<0.000000e+00> : vector<1000x64xf32>
    %dot_general3A_25 = tpu.matmul %slice3A, %get3A_24, %dot_general3A {dimension_numbers = #tpu.dot_dimension_numbers<[1], [0], [0], [1], [0, 0, 1, 1], [], []>, transpose_lhs_hint = false} : vector<1000x64xf32>, vector<64x64xf32>, vector<1000x64xf32> -> vector<1000x64xf32>
    %slice3A_26 = vector.extract_strided_slice %div3A_18 {offsets = [0, 64], sizes = [1000, 64], strides = [1, 1]} : vector<1000x128xf32> to vector<1000x64xf32>
    %get3A_27 = arith.constant 64 : index
    %get3A_28 = arith.constant 0 : index
    %get3A_29 = vector.load %arg6[%get3A_27, %get3A_28] : memref<192x64xf32, #tpu.memory_space<vmem>>, vector<64x64xf32>
    %dot_general3A_30 = arith.constant dense<0.000000e+00> : vector<1000x64xf32>
    %dot_general3A_31 = tpu.matmul %slice3A_26, %get3A_29, %dot_general3A_30 {dimension_numbers = #tpu.dot_dimension_numbers<[1], [0], [0], [1], [0, 0, 1, 1], [], []>, transpose_lhs_hint = false} : vector<1000x64xf32>, vector<64x64xf32>, vector<1000x64xf32> -> vector<1000x64xf32>
    %add3A = arith.addf %dot_general3A_25, %dot_general3A_31 : vector<1000x64xf32>
    %slice3A_32 = vector.extract_strided_slice %get3A_21 {offsets = [0, 0], sizes = [1000, 64], strides = [1, 1]} : vector<1000x128xf32> to vector<1000x64xf32>
    %get3A_33 = arith.constant 128 : index
    %get3A_34 = arith.constant 0 : index
    %get3A_35 = vector.load %arg6[%get3A_33, %get3A_34] : memref<192x64xf32, #tpu.memory_space<vmem>>, vector<64x64xf32>
    %dot_general3A_36 = arith.constant dense<0.000000e+00> : vector<1000x64xf32>
    %dot_general3A_37 = tpu.matmul %slice3A_32, %get3A_35, %dot_general3A_36 {dimension_numbers = #tpu.dot_dimension_numbers<[1], [0], [0], [1], [0, 0, 1, 1], [], []>, transpose_lhs_hint = false} : vector<1000x64xf32>, vector<64x64xf32>, vector<1000x64xf32> -> vector<1000x64xf32>
    %add3A_38 = arith.addf %add3A, %dot_general3A_37 : vector<1000x64xf32>
    %get3A_39 = arith.constant 0 : index
    %get3A_40 = arith.constant 0 : index
    %get3A_41 = vector.load %arg7[%get3A_39, %get3A_40] : memref<1x64xf32, #tpu.memory_space<vmem>>, vector<1x64xf32>
    %add3A_42 = vector.broadcast %get3A_41 : vector<1x64xf32> to vector<1000x64xf32>
    %add3A_43 = arith.addf %add3A_38, %add3A_42 : vector<1000x64xf32>
    %tanh3A = math.tanh %add3A_43 : vector<1000x64xf32>
    %swap3A = arith.constant 0 : index
    %swap3A_44 = arith.constant 0 : index
    %swap3A_45 = vector.load %arg10[%swap3A, %swap3A_44] : memref<1000x128xf32, #tpu.memory_space<vmem>>, vector<1000x64xf32>
    tpu.vector_store %arg10[%swap3A, %swap3A_44], %tanh3A {strides = array<i32>} : memref<1000x128xf32, #tpu.memory_space<vmem>>, vector<1000x64xf32>,
    %slice3A_46 = vector.extract_strided_slice %div3A_18 {offsets = [0, 0], sizes = [1000, 64], strides = [1, 1]} : vector<1000x128xf32> to vector<1000x64xf32>
    %get3A_47 = arith.constant 64 : index
    %get3A_48 = arith.constant 0 : index
    %get3A_49 = vector.load %arg8[%get3A_47, %get3A_48] : memref<192x64xf32, #tpu.memory_space<vmem>>, vector<64x64xf32>
    %dot_general3A_50 = arith.constant dense<0.000000e+00> : vector<1000x64xf32>
    %dot_general3A_51 = tpu.matmul %slice3A_46, %get3A_49, %dot_general3A_50 {dimension_numbers = #tpu.dot_dimension_numbers<[1], [0], [0], [1], [0, 0, 1, 1], [], []>, transpose_lhs_hint = false} : vector<1000x64xf32>, vector<64x64xf32>, vector<1000x64xf32> -> vector<1000x64xf32>
    %slice3A_52 = vector.extract_strided_slice %div3A_7 {offsets = [0, 64], sizes = [1000, 64], strides = [1, 1]} : vector<1000x128xf32> to vector<1000x64xf32>
    %get3A_53 = arith.constant 0 : index
    %get3A_54 = arith.constant 0 : index
    %get3A_55 = vector.load %arg8[%get3A_53, %get3A_54] : memref<192x64xf32, #tpu.memory_space<vmem>>, vector<64x64xf32>
    %dot_general3A_56 = arith.constant dense<0.000000e+00> : vector<1000x64xf32>
    %dot_general3A_57 = tpu.matmul %slice3A_52, %get3A_55, %dot_general3A_56 {dimension_numbers = #tpu.dot_dimension_numbers<[1], [0], [0], [1], [0, 0, 1, 1], [], []>, transpose_lhs_hint = false} : vector<1000x64xf32>, vector<64x64xf32>, vector<1000x64xf32> -> vector<1000x64xf32>
    %add3A_58 = arith.addf %dot_general3A_51, %dot_general3A_57 : vector<1000x64xf32>
    %slice3A_59 = vector.extract_strided_slice %get3A_21 {offsets = [0, 64], sizes = [1000, 64], strides = [1, 1]} : vector<1000x128xf32> to vector<1000x64xf32>
    %get3A_60 = arith.constant 128 : index
    %get3A_61 = arith.constant 0 : index
    %get3A_62 = vector.load %arg8[%get3A_60, %get3A_61] : memref<192x64xf32, #tpu.memory_space<vmem>>, vector<64x64xf32>
    %dot_general3A_63 = arith.constant dense<0.000000e+00> : vector<1000x64xf32>
    %dot_general3A_64 = tpu.matmul %slice3A_59, %get3A_62, %dot_general3A_63 {dimension_numbers = #tpu.dot_dimension_numbers<[1], [0], [0], [1], [0, 0, 1, 1], [], []>, transpose_lhs_hint = false} : vector<1000x64xf32>, vector<64x64xf32>, vector<1000x64xf32> -> vector<1000x64xf32>
    %add3A_65 = arith.addf %add3A_58, %dot_general3A_64 : vector<1000x64xf32>
    %get3A_66 = arith.constant 0 : index
    %get3A_67 = arith.constant 0 : index
    %get3A_68 = vector.load %arg9[%get3A_66, %get3A_67] : memref<1x64xf32, #tpu.memory_space<vmem>>, vector<1x64xf32>
    %add3A_69 = vector.broadcast %get3A_68 : vector<1x64xf32> to vector<1000x64xf32>
    %add3A_70 = arith.addf %add3A_65, %add3A_69 : vector<1000x64xf32>
    %tanh3A_71 = math.tanh %add3A_70 : vector<1000x64xf32>
    %swap3A_72 = arith.constant 0 : index
    %swap3A_73 = arith.constant 64 : index
    %swap3A_74 = vector.load %arg10[%swap3A_72, %swap3A_73] : memref<1000x128xf32, #tpu.memory_space<vmem>>, vector<1000x64xf32>
    tpu.vector_store %arg10[%swap3A_72, %swap3A_73], %tanh3A_71 {strides = array<i32>} : memref<1000x128xf32, #tpu.memory_space<vmem>>, vector<1000x64xf32>,
    return
  }
  func.func @transform_0(%arg0: i32) -> (i32, i32) {
    %c0_i32 = arith.constant 0 : i32
    %c0_i32_0 = arith.constant 0 : i32
    return %arg0, %c0_i32 : i32, i32
  }
  func.func @transform_1(%arg0: i32) -> (i32, i32) {
    %c0_i32 = arith.constant 0 : i32
    %c0_i32_0 = arith.constant 0 : i32
    return %arg0, %c0_i32 : i32, i32
  }
  func.func @transform_2(%arg0: i32) -> (i32, i32) {
    %c0_i32 = arith.constant 0 : i32
    %c0_i32_0 = arith.constant 0 : i32
    return %arg0, %c0_i32 : i32, i32
  }
  func.func @transform_3(%arg0: i32) -> (i32, i32) {
    %c0_i32 = arith.constant 0 : i32
    %c0_i32_0 = arith.constant 0 : i32
    return %arg0, %c0_i32 : i32, i32
  }
  func.func @transform_4(%arg0: i32) -> (i32, i32) {
    %c0_i32 = arith.constant 0 : i32
    %c0_i32_0 = arith.constant 0 : i32
    return %arg0, %c0_i32 : i32, i32
  }
  func.func @transform_5(%arg0: i32) -> (i32, i32) {
    %c0_i32 = arith.constant 0 : i32
    %c0_i32_0 = arith.constant 0 : i32
    %c0_i32_1 = arith.constant 0 : i32
    return %c0_i32, %c0_i32_0 : i32, i32
  }
  func.func @transform_6(%arg0: i32) -> (i32, i32) {
    %c0_i32 = arith.constant 0 : i32
    %c0_i32_0 = arith.constant 0 : i32
    %c0_i32_1 = arith.constant 0 : i32
    return %c0_i32, %c0_i32_0 : i32, i32
  }
  func.func @transform_7(%arg0: i32) -> (i32, i32) {
    %c0_i32 = arith.constant 0 : i32
    %c0_i32_0 = arith.constant 0 : i32
    %c0_i32_1 = arith.constant 0 : i32
    return %c0_i32, %c0_i32_0 : i32, i32
  }
  func.func @transform_8(%arg0: i32) -> (i32, i32) {
    %c0_i32 = arith.constant 0 : i32
    %c0_i32_0 = arith.constant 0 : i32
    %c0_i32_1 = arith.constant 0 : i32
    return %c0_i32, %c0_i32_0 : i32, i32
  }
  func.func @transform_9(%arg0: i32) -> (i32, i32) {
    %c0_i32 = arith.constant 0 : i32
    %c0_i32_0 = arith.constant 0 : i32
    return %arg0, %c0_i32 : i32, i32
  }
}

</mosaic_0001>

<sc_bundles>
// kernel: kernel.10.cloned.1.call-start
scs
__scs_entry_jumppad:
0x0: {  	(pc) =	sbr.rel $0x88, $3  }
0x1: {  	(tag) =	ssettag $0x0;
	lr =	simm.s32 $0x1  }
0x2: {  	[smem:$0x3F96] =	sst lr;
	_ =	strace $0xD0000000  }
0x3: {  	_ = 	snop  }
0x4: {  	_ = 	snop  }
0x5: {  	_ = 	snop  }
0x6: {  	_ = 	snop  }
0x7: {  	_ = 	snop  }
__scs_overlays_trampoline_lowered:
0x8: {  	[smem:$0x3FA5] =	sst s0  }
0x9: {  	[smem:$0x3FA6] =	sst s1  }
0xa: {  	[smem:$0x3FA7] =	sst s2  }
0xb: {  	[smem:$0x3FA8] =	sst s3  }
0xc: {  	[smem:$0x3FA9] =	sst s4  }
0xd: {  	[smem:$0x3FAA] =	sst s5  }
0xe: {  	[smem:$0x3FAB] =	sst s6  }
0xf: {  	[smem:$0x3FAC] =	sst s7  }
0x10: {  	[smem:$0x3FAD] =	sst s8  }
0x11: {  	[smem:$0x3FAE] =	sst s9;
	s0 =	simm.s32 @!p0 $0x0  }
0x12: {  	s1 =	sld [smem:$0x3F94];
	s0 =	simm.s32 @p0 $0x1  }
0x13: {  	[smem:$0x3FAF] =	sst s0;
	s0 =	simm.s32 @!p1 $0x0  }
0x14: {  	s2 =	sld [smem:$0x3F93];
	s0 =	simm.s32 @p1 $0x1  }
0x15: {  	[smem:$0x3FB0] =	sst s0;
	s0 =	simm.s32 @!p2 $0x0  }
0x16: {  	s3 =	sld [smem:$0x3FDB];
	s0 =	simm.s32 @p2 $0x1  }
0x17: {  	s4 =	simm.s32 $0x1BF5;
	[smem:$0x3FB2] =	sst s0  }
0x18: {  	s0 =	sld [smem:$0x3F95];
	_ =	swait.ge [sflag:s4], $0x0  }
0x19: {  	s7 =	sld [smem:$0x3F96]  }
0x1a: {  	s8 =	sadd.s32 $0xFFFFE003, lr  }
0x1b: {  	s9 =	sadd.s32 $0xFFFFFEF7, lr;
	s5 =	simm.s32 $0xFFFFFFFF;
	p2 =	slt.u32 s8, $0xFFFFF086  }
0x1c: {  	p1 =	slt.u32 s9, $0xF7A;
	s5 =	simm.s32 @!p2 $0x0  }
0x1d: {  	s5 =	simm.s32 @p1 $0x1;
	p0 =	seq.s32 s7, s2  }
0x1e: {  	s7 =	smul.u32 @!p0 $0xF7A, s2;
	p2 =	seq.s32 @!p0 s5, $0x0  }
0x1f: {  	s9 =	smul.u32 $0xF7A, s1;
	s8 =	simm.s32 @!p0 $0x1BF5;
	p2 =	por !p2, p0  }
0x20: {  	[sflag:s8] =	ssyncset.s32 @!p0 $0xFFFFF086;
	s6 =	sadd.s32 @!p0 s3, s7;
	s7 =	simm.s32 @!p0 $0x108  }
0x21: {  	s3 =	sadd.s32 s3, s9;
	s6 =	sadd.s32 @!p0 $0x88, s6;
	s7 =	simm.s32 @p2 $0x1082  }
0x22: {  	[simem:s7], [sflag:s8] =	dma.local @!p0 [hbm:s6], $0xF7A  }
0x23: {  	s9 =	sor.u32 $0xD0000000, s2;
	s6 =	simm.s32 $0x108;
	_ =	swait.ge @!p0 [sflag:s8], $0x0  }
0x24: {  	s3 =	sadd.s32 $0x88, s3;
	s6 =	simm.s32 @!p1 $0x1082;
	[sflag:s4] =	ssyncset.s32 $0xFFFFF086  }
0x25: {  	[simem:s6], [sflag:s4] =	dma.local [hbm:s3], $0xF7A  }
0x26: {  	[smem:$0x3F96] =	sst s1;
	(tag) =	ssettag s2;
	_ =	strace s9  }
0x27: {  	s1 =	sld [smem:$0x3FA6]  }
0x28: {  	s2 =	sld [smem:$0x3FA7]  }
0x29: {  	s4 =	sld [smem:$0x3FA9]  }
0x2a: {  	p0 =	seq.s32 s5, $0x0;
	s5 =	sld [smem:$0x3FAA]  }
0x2b: {  	s6 =	sld [smem:$0x3FAB]  }
0x2c: {  	s7 =	sld [smem:$0x3FAC]  }
0x2d: {  	s3 =	simm.s32 $0x108;
	s8 =	sld [smem:$0x3FAD]  }
0x2e: {  	s3 =	simm.s32 @!p0 $0x1082;
	s9 =	sld [smem:$0x3FAE]  }
0x2f: {  	lr =	sadd.s32 s0, s3;
	s0 =	sld [smem:$0x3FA5]  }
0x30: {  	s3 =	sld [smem:$0x3FA8]  }
0x31: {  	[smem:$0x3FB1] =	sst s10  }
0x32: {  	s10 =	sld [smem:$0x3FAF];
	_ =	sdelay $0x3  }
0x33: {  	p0 =	seq.s32 s10, $0x1;
	s10 =	sld [smem:$0x3FB1];
	_ =	sdelay $0x3  }
0x34: {  	[smem:$0x3FB1] =	sst s10  }
0x35: {  	s10 =	sld [smem:$0x3FB0];
	_ =	sdelay $0x3  }
0x36: {  	p1 =	seq.s32 s10, $0x1;
	s10 =	sld [smem:$0x3FB1];
	_ =	sdelay $0x3  }
0x37: {  	[smem:$0x3FB1] =	sst s10  }
0x38: {  	s10 =	sld [smem:$0x3FB2]  }
0x39: {  	_ = 	snop;
	(pc) =	sbr.ind lr, $3  }
0x3a: {  	_ = 	snop  }
0x3b: {  	_ = 	snop  }
0x3c: {  	p2 =	seq.s32 s10, $0x1;
	s10 =	sld [smem:$0x3FB1]  }
0x3d: {  	_ =	shalt  }
0x3e: {  	_ =	shalt  }
0x3f: {  	_ =	shalt  }
0x40: {  	_ =	shalt  }
0x41: {  	_ =	shalt  }
0x42: {  	_ =	shalt  }
0x43: {  	_ =	shalt  }
0x44: {  	_ =	shalt  }
0x45: {  	_ =	shalt  }
0x46: {  	_ =	shalt  }
0x47: {  	_ =	shalt  }
0x48: {  	_ =	shalt  }
0x49: {  	_ =	shalt  }
0x4a: {  	_ =	shalt  }
0x4b: {  	_ =	shalt  }
0x4c: {  	_ =	shalt  }
0x4d: {  	_ =	shalt  }
0x4e: {  	_ =	shalt  }
0x4f: {  	_ =	shalt  }
0x50: {  	_ =	shalt  }
0x51: {  	_ =	shalt  }
0x52: {  	_ =	shalt  }
0x53: {  	_ =	shalt  }
0x54: {  	_ =	shalt  }
0x55: {  	_ =	shalt  }
0x56: {  	_ =	shalt  }
0x57: {  	_ =	shalt  }
0x58: {  	_ =	shalt  }
0x59: {  	_ =	shalt  }
0x5a: {  	_ =	shalt  }
0x5b: {  	_ =	shalt  }
0x5c: {  	_ =	shalt  }
0x5d: {  	_ =	shalt  }
0x5e: {  	_ =	shalt  }
0x5f: {  	_ =	shalt  }
0x60: {  	_ =	shalt  }
0x61: {  	_ =	shalt  }
0x62: {  	_ =	shalt  }
0x63: {  	_ =	shalt  }
0x64: {  	_ =	shalt  }
0x65: {  	_ =	shalt  }
0x66: {  	_ =	shalt  }
0x67: {  	_ =	shalt  }
0x68: {  	_ =	shalt  }
0x69: {  	_ =	shalt  }
0x6a: {  	_ =	shalt  }
0x6b: {  	_ =	shalt  }
0x6c: {  	_ =	shalt  }
0x6d: {  	_ =	shalt  }
0x6e: {  	_ =	shalt  }
0x6f: {  	_ =	shalt  }
0x70: {  	_ =	shalt  }
0x71: {  	_ =	shalt  }
0x72: {  	_ =	shalt  }
0x73: {  	_ =	shalt  }
0x74: {  	_ =	shalt  }
0x75: {  	_ =	shalt  }
0x76: {  	_ =	shalt  }
0x77: {  	_ =	shalt  }
0x78: {  	_ =	shalt  }
0x79: {  	_ =	shalt  }
0x7a: {  	_ =	shalt  }
0x7b: {  	_ =	shalt  }
0x7c: {  	_ =	shalt  }
0x7d: {  	_ =	shalt  }
0x7e: {  	_ =	shalt  }
0x7f: {  	_ =	shalt  }
0x80: {  	_ =	shalt  }
0x81: {  	_ =	shalt  }
0x82: {  	_ =	shalt  }
0x83: {  	_ =	shalt  }
0x84: {  	_ =	shalt  }
0x85: {  	_ =	shalt  }
0x86: {  	_ =	shalt  }
0x87: {  	_ =	shalt  }
.Lfunc_end0:
.L_simem_size_0:
called_computation.1_lowered:
.L_overlay_start_0:
0x88: {  	s2 =	sld [smem:$0x3FD9]  }
0x89: {  	s3 =	sld [smem:$0x3FFE];
	_ =	sdelay $0x1  }
0x8a: {  	s1 =	srdreg.scid  }
0x8b: {  	s0 =	sand.u32 $0x1, s1  }
0x8c: {  	s17 =	sshll.u32 s0, $0xA;
	s2 =	sadd.s32 s3, s2  }
0x8d: {  	s2 =	sadd.s32 s2, s17  }
0x8e: {  	[smem:$0x3FBD] =	sst s2  }
0x8f: {  	_ = 	snop  }
0x90: {  	s2 =	sld [smem:$0x3FC7];
	(tm) =	ssettm $0x1  }
0x91: {  	s18 =	sld [smem:$0x3FFB];
	_ =	sdelay $0x3  }
0x92: {  	_ =	strace s18  }
0x93: {  	s3 =	sld [smem:$0x3FFC];
	_ =	sdelay $0x3  }
0x94: {  	_ =	strace s3  }
0x95: {  	s3 =	sld [smem:$0x3FFD];
	_ =	sdelay $0x3  }
0x96: {  	_ =	strace s3  }
0x97: {  	_ =	strace $0x8FFFFFFF  }
0x98: {  	s19 =	sld [smem:$0x3FDB];
	_ =	sdelay $0x1  }
0x99: {  	s4 =	simm.s32 $_scs_section_size  }
0x9a: {  	s5 =	simm.s32 $_size__tile_overlayer_lowered;
	s6 =	simm.s32 $_tile_overlayer_lowered  }
0x9b: {  	s22 =	simm.s32 $0x1BFF;
	s21 =	sshll.u32 s6, $0x1;
	s3 =	sadd.s32 s4, s19  }
0x9c: {  	s7 =	simm.s32 $0x0;
	s20 =	sshll.u32 s5, $0x1;
	s5 =	sadd.s32 s21, s3  }
0x9d: {  	[timem:s7], [sflag:s22] =	dma.local [hbm:s5], s20  }
0x9e: {  	_ =	swait.ge [sflag:s22], s20  }
0x9f: {  	s4 =	ssub.s32 $0x0, s20;
	[sflag:s22] =	ssyncset.done $0x0  }
0xa0: {  	[sflag:s22] =	ssyncadd.s32 s4;
	_ =	sdelay $0x1  }
0xa1: {  	s23 =	simm.s32 $0x1B8B  }
0xa2: {  	_ =	swait.ge [sflag:s23], $0x1  }
0xa3: {  	[sflag:s23] =	ssyncset.done $0x0  }
0xa4: {  	s25 =	simm.s32 $0x1B8E;
	s24 =	sld [smem:$0x3FFE];
	[sflag:s23] =	ssyncadd.s32 $0xFFFFFFFF  }
0xa5: {  	s26 =	simm.s32 $execute0_lowered;
	[smem:$0x3FD2] =	sst s25  }
0xa6: {  	s5 =	sshll.u32 s26, $0x1;
	_ =	strace $0x80000046;
	[dreg:$0x1] =	wrdreg $0xFFFFFFFF  }
0xa7: {  	s28 =	simm.s32 $_size_execute0_lowered;
	s3 =	sadd.s32 s3, s5;
	[dreg:$0x0] =	wrdreg $0x0  }
0xa8: {  	s5 =	sshll.u32 s28, $0x1;
	[dreg:$0x2] =	wrdreg s3  }
0xa9: {  	[dreg:$0x3] =	wrdreg s5  }
0xaa: {  	[dreg:$0x4] =	wrdreg $0xC0  }
0xab: {  	_ =	task [dreg:s7], $0x5FFFF  }
0xac: {  	[dreg:$0x1] =	wrdreg $0xFFFFFFFF  }
0xad: {  	[dreg:$0x0] =	wrdreg $0x60  }
0xae: {  	[dreg:$0x2] =	wrdreg s2  }
0xaf: {  	[dreg:$0x3] =	wrdreg s24  }
0xb0: {  	[dreg:$0x4] =	wrdreg $0x0  }
0xb1: {  	[dreg:$0x5] =	wrdreg $0xA  }
0xb2: {  	_ =	task.clear_ibuf [dreg:s7], $0x6FFFF;
	_ =	strace $0x90000046  }
0xb3: {  	s29 =	simm.s32 $0xA;
	_ =	strace $0x80000048  }
0xb4: {  	_ =	swait.ge [sflag:s29], $0x1  }
0xb5: {  	[sflag:s29] =	ssyncadd.s32 $0xFFFFFFFF  }
0xb6: {  	_ =	strace $0x90000048  }
0xb7: {  	_ =	sfence  }
0xb8: {  	s30 =	sld [smem:$0x0];
	_ =	sdelay $0x2  }
0xb9: {  	s31 =	sshll.u32 s1, $0xD;
	s1 =	sshrl.u32 s1, $0x2  }
0xba: {  	s3 =	sand.u32 $0x4000, s31;
	s1 =	sadd.s32 s1, s30  }
0xbb: {  	s0 =	sor.u32 s3, s0;
	s1 =	sshll.u32 s1, $0x11  }
0xbc: {  	s0 =	sor.u32 s1, s0  }
0xbd: {  	s0 =	sadd.s32 $0x8F2B, s0  }
0xbe: {  	[sflag:s0] =	ssyncadd.remote.s32 $0x1  }
0xbf: {  	_ =	sfence.sel $0xFFFF  }
0xc0: {  	[dreg:$0x0] =	wrdreg $0xFFFFFFFF;
	(pc) =	sbr.abs _section_cstart, $3  }
0xc1: {  	[dreg:$0x1] =	wrdreg $0xFFFFFFFF  }
0xc2: {  	_ =	task.clear_ibuf [dreg:s7], $0x2FFFF;
	_ =	strace $0x9FFFFFFF  }
0xc3: {  	(tm) =	ssettm $0x7FFFFFFF  }
tec
execute0_lowered:
.L_overlay_start_1:
0x0: {  	(tag) =	ssettag $0x1  }
0x1: {  	s2 =	rddreg [dreg:$0x0]  }
0x2: {  	s5 =	rddreg [dreg:$0x1]  }
0x3: {  	s3 =	rddreg [dreg:$0x2]  }
0x4: {  	s0 =	rddreg [dreg:$0x3];
	s1 =	stileid.u32  }
0x5: {  	s7 =	srdreg.scid;
	s4 =	simm.s32 $0x0;
	s13 =	simm.s32 $0x13C00  }
0x6: {  	s14 =	simm.s32 $0x13C80;
	s15 =	simm.s32 $0x80;
	s6 =	smul.u32 $0x9E0, s1  }
0x7: {  	s16 =	simm.s32 $0x13D00;
	s17 =	simm.s32 $0x0;
	s8 =	smul.u32 $0x13C00, s1  }
0x8: {  	s7 =	sand.u32 $0x1, s7;
	[smem:$0x7FF] =	sst s4;
	s28 =	smul.u32 $0x4F000, s1  }
0x9: {  	s30 =	sshll.u32 s1, $0x6;
	s9 =	smul.u32 $0x13C000, s7;
	_ =	strace $0x80000047  }
0xa: {  	s11 =	ssub.s32 $0x2, s7;
	s31 =	sshll.u32 s7, $0x4;
	s10 =	sadd.s32 s6, s5  }
0xb: {  	s26 =	sshrl.u32 s8, $0x3;
	s29 =	sshrl.u32 s11, $0x1;
	s8 =	sadd.s32 s8, s9  }
0xc: {  	s6 =	sadd.s32 s26, s5;
	s9 =	sshrl.u32 s28, $0x2;
	s11 =	ssub.s32 s11, s29  }
0xd: {  	s10 =	sadd.s32 s31, s10;
	s8 =	sshrl.u32 s8, $0x3;
	s12 =	sadd.s32 s9, s3  }
0xe: {  	s9 =	sadd.s32 $0xE000, s10;
	s10 =	sadd.s32 $0x4200, s10;
	s8 =	sadd.s32 s8, s5  }
0xf: {  	s5 =	sadd.s32 $0x17E00, s6;
	s6 =	sor.u32 $0x1C01, s30;
	s7 =	sadd.s32 $0x3F600, s8  }
0x10: {  	s8 =	smax.u32 s11, $0x1;
	s11 =	sshrl.u32 s12, $0x3;
	s12 =	simm.s32 $0x1  }
.LBB2_1:
0x11: {  	[spmem:s11], [sflag:s6] =	dma.local [hbm:s5], $0x2780  }
0x12: {  	_ =	swait.ge [sflag:s12], $0x2780  }
0x13: {  	[sflag:s12] =	ssyncset.done $0x0  }
0x14: {  	[sflag:s12] =	ssyncadd.s32 $0xFFFFD880  }
0x15: {  	s18 =	sadd.s32 $0x0, s9;
	[bflag:$0x0] =	sbarrier.arrive $0xFFFF  }
0x16: {  	[tilespmem:s13], [sflag:$0x1] =	stream.linear.gather [hbm4b:s18+s4], $0x80, $0x38;
	[tilespmem:$0x17D00] =	vst v63  }
0x17: {  	_ =	swait.ge [sflag:s12], $0x80  }
0x18: {  	[sflag:s12] =	ssyncset.done $0x0  }
0x19: {  	s31 =	sadd.s32 $0x0, s10;
	[sflag:s12] =	ssyncadd.s32 $0xFFFFFF80  }
0x1a: {  	[tilespmem:s14], [sflag:$0x1] =	stream.linear.gather [hbm4b:s31+s4], $0x80, $0x38;
	[tilespmem:$0x17D00] =	vst v63  }
0x1b: {  	_ =	swait.ge [sflag:s12], $0x80  }
0x1c: {  	[sflag:s12] =	ssyncset.done $0x0  }
0x1d: {  	[sflag:s12] =	ssyncadd.s32 $0xFFFFFF80  }
0x1e: {  	[tilespmem:s16], [sflag:$0x1] =	stream.indirect.gather [hbm4b:s2+s15], $0x80, s13, s15, $0xb8;
	[tilespmem:$0x17D00] =	vst v63  }
0x1f: {  	_ =	swait.ge [sflag:s12], $0x4000  }
0x20: {  	[sflag:s12] =	ssyncset.done $0x0  }
0x21: {  	[sflag:s12] =	ssyncadd.s32 $0xFFFFC000  }
0x22: {  	[spmem:s3] =	stream.indirect.scatter.add.f32 [tilespmem:s16], [sflag:$0x1], $0x80, s14, s15, $0xb8;
	[tilespmem:$0x17D00] =	vst v63  }
0x23: {  	_ =	swait.ge [sflag:s12], $0x4000  }
0x24: {  	s19 =	simm.s32 $0x40;
	s18 =	simm.s32 $0x20;
	[sflag:s12] =	ssyncset.done $0x0  }
.LBB2_2:
0x25: {  	s20 =	sadd.s32 s18, s9  }
0x26: {  	[sflag:s12] =	ssyncadd.s32 $0xFFFFC000;
	s21 =	smov.u32 s19;
	s22 =	sadd.s32 $0x20, s19  }
0x27: {  	[tilespmem:s13], [sflag:$0x1] =	stream.linear.gather [hbm4b:s20+s4], $0x80, $0x38;
	[tilespmem:$0x17D00] =	vst v63  }
0x28: {  	p0 =	sne.s32 s19, $0x9C0;
	_ =	swait.ge [sflag:s12], $0x80  }
0x29: {  	[sflag:s12] =	ssyncset.done $0x0  }
0x2a: {  	s19 =	sadd.s32 s18, s10;
	s18 =	smov.u32 s21;
	[sflag:s12] =	ssyncadd.s32 $0xFFFFFF80  }
0x2b: {  	[tilespmem:s14], [sflag:$0x1] =	stream.linear.gather [hbm4b:s19+s4], $0x80, $0x38;
	[tilespmem:$0x17D00] =	vst v63  }
0x2c: {  	_ =	swait.ge [sflag:s12], $0x80  }
0x2d: {  	[sflag:s12] =	ssyncset.done $0x0  }
0x2e: {  	[sflag:s12] =	ssyncadd.s32 $0xFFFFFF80  }
0x2f: {  	[tilespmem:s16], [sflag:$0x1] =	stream.indirect.gather [hbm4b:s2+s15], $0x80, s13, s15, $0xb8;
	[tilespmem:$0x17D00] =	vst v63  }
0x30: {  	_ =	swait.ge [sflag:s12], $0x4000  }
.Ltmp0:
0x31: {  	[sflag:s12] =	ssyncset.done $0x0;
	(pc) =	sbr.rel @p0 .LBB2_2-.Ltmp0, $4  }
0x32: {  	[sflag:s12] =	ssyncadd.s32 $0xFFFFC000  }
0x33: {  	[spmem:s3] =	stream.indirect.scatter.add.f32 [tilespmem:s16], [sflag:$0x1], $0x80, s14, s15, $0xb8;
	[tilespmem:$0x17D00] =	vst v63  }
0x34: {  	_ =	swait.ge [sflag:s12], $0x4000  }
0x35: {  	s19 =	smov.u32 s22;
	[sflag:s12] =	ssyncset.done $0x0  }
0x36: {  	s19 =	sadd.s32 s18, s9;
	[sflag:s12] =	ssyncadd.s32 $0xFFFFC000  }
0x37: {  	[tilespmem:s13], [sflag:$0x1] =	stream.linear.gather [hbm4b:s19+s4], $0x80, $0x38;
	[tilespmem:$0x17D00] =	vst v63  }
0x38: {  	_ =	swait.ge [sflag:s12], $0x80  }
0x39: {  	[sflag:s12] =	ssyncset.done $0x0  }
0x3a: {  	s31 =	sadd.s32 s18, s10;
	[sflag:s12] =	ssyncadd.s32 $0xFFFFFF80  }
0x3b: {  	[tilespmem:s14], [sflag:$0x1] =	stream.linear.gather [hbm4b:s31+s4], $0x80, $0x38;
	[tilespmem:$0x17D00] =	vst v63  }
0x3c: {  	_ =	swait.ge [sflag:s12], $0x80  }
0x3d: {  	[sflag:s12] =	ssyncset.done $0x0  }
0x3e: {  	[sflag:s12] =	ssyncadd.s32 $0xFFFFFF80  }
0x3f: {  	[tilespmem:s16], [sflag:$0x1] =	stream.indirect.gather [hbm4b:s2+s15], $0x80, s13, s15, $0xb8;
	[tilespmem:$0x17D00] =	vst v63  }
0x40: {  	_ =	swait.ge [sflag:s12], $0x4000  }
0x41: {  	[sflag:s12] =	ssyncset.done $0x0  }
0x42: {  	[sflag:s12] =	ssyncadd.s32 $0xFFFFC000  }
0x43: {  	[spmem:s3] =	stream.indirect.scatter.add.f32 [tilespmem:s16], [sflag:$0x1], $0x80, s14, s15, $0xb8;
	[tilespmem:$0x17D00] =	vst v63  }
0x44: {  	_ =	swait.ge [sflag:s12], $0x4000  }
0x45: {  	s17 =	sadd.s32 $0x1, s17;
	[sflag:s12] =	ssyncset.done $0x0  }
0x46: {  	p0 =	sne.s32 s17, s8;
	[sflag:s12] =	ssyncadd.s32 $0xFFFFC000  }
.Ltmp1:
0x47: {  	[bflag:$0x0] =	sbarrier.arrive $0xFFFF;
	(pc) =	sbr.rel @p0 .LBB2_1-.Ltmp1, $4  }
0x48: {  	[hbm:s7], [sflag:s6] =	dma.local [spmem:s11], $0x2780  }
0x49: {  	_ =	swait.ge [sflag:s12], $0x2780  }
0x4a: {  	[sflag:s12] =	ssyncset.done $0x0  }
0x4b: {  	[sflag:s12] =	ssyncadd.s32 $0xFFFFD880  }
0x4c: {  	_ =	sfence.sel $0x180000  }
0x4d: {  	[bflag:$0x0] =	sbarrier.arrive $0xFFFF  }
0x4e: {  	p0 =	sne.s32 s1, $0x0;
	_ =	strace $0x90000047  }
0x4f: {  	s0 =	sadd.s32 @!p0 $0x100000, s0;
	[bflag:$0x2] =	sbarrier.arrive $0xFFFF  }
0x50: {  	[sflag:s0] =	ssyncadd.tile.s32 @!p0 $0x1;
	_ =	shalt  }
.Lfunc_end2:
_tile_overlayer_lowered:
.L_overlay_start_2:
0x51: {  	(tag) =	ssettag $0x2  }
0x52: {  	s0 =	rddreg [dreg:$0x0];
	s2 =	stileid.u32  }
0x53: {  	s1 =	rddreg [dreg:$0x1];
	p0 =	sne.s32 s2, $0x0  }
0x54: {  	s3 =	rddreg [dreg:$0x2];
	[bflag:$0x3] =	sbarrier.arrive $0xFFFF;
	s2 =	simm.s32 @!p0 $0x1C01  }
0x55: {  	[timem:s3], [sflag:s2] =	dma.local @!p0 [hbm:s0], s1  }
0x56: {  	s0 =	simm.s32 @!p0 $0x1  }
0x57: {  	_ =	swait.ge @!p0 [sflag:s0], s1  }
0x58: {  	s1 =	ssub.s32 @!p0 $0x0, s1;
	[sflag:s0] =	ssyncset.done @!p0 $0x0  }
0x59: {  	[sflag:s0] =	ssyncadd.s32 @!p0 s1  }
0x5a: {  	[bflag:$0x3] =	sbarrier.arrive $0xFFFF  }
0x5b: {  	_ =	shalt  }

// kernel: kernel.13.cloned.1.call-start
scs
__scs_entry_jumppad:
0x0: {  	(pc) =	sbr.rel $0x88, $3  }
0x1: {  	(tag) =	ssettag $0x0;
	lr =	simm.s32 $0x1  }
0x2: {  	[smem:$0x3F96] =	sst lr;
	_ =	strace $0xD0000000  }
0x3: {  	_ = 	snop  }
0x4: {  	_ = 	snop  }
0x5: {  	_ = 	snop  }
0x6: {  	_ = 	snop  }
0x7: {  	_ = 	snop  }
__scs_overlays_trampoline_lowered:
0x8: {  	[smem:$0x3FA5] =	sst s0  }
0x9: {  	[smem:$0x3FA6] =	sst s1  }
0xa: {  	[smem:$0x3FA7] =	sst s2  }
0xb: {  	[smem:$0x3FA8] =	sst s3  }
0xc: {  	[smem:$0x3FA9] =	sst s4  }
0xd: {  	[smem:$0x3FAA] =	sst s5  }
0xe: {  	[smem:$0x3FAB] =	sst s6  }
0xf: {  	[smem:$0x3FAC] =	sst s7  }
0x10: {  	[smem:$0x3FAD] =	sst s8  }
0x11: {  	[smem:$0x3FAE] =	sst s9;
	s0 =	simm.s32 @!p0 $0x0  }
0x12: {  	s1 =	sld [smem:$0x3F94];
	s0 =	simm.s32 @p0 $0x1  }
0x13: {  	[smem:$0x3FAF] =	sst s0;
	s0 =	simm.s32 @!p1 $0x0  }
0x14: {  	s2 =	sld [smem:$0x3F93];
	s0 =	simm.s32 @p1 $0x1  }
0x15: {  	[smem:$0x3FB0] =	sst s0;
	s0 =	simm.s32 @!p2 $0x0  }
0x16: {  	s3 =	sld [smem:$0x3FDB];
	s0 =	simm.s32 @p2 $0x1  }
0x17: {  	s4 =	simm.s32 $0x1BF5;
	[smem:$0x3FB2] =	sst s0  }
0x18: {  	s0 =	sld [smem:$0x3F95];
	_ =	swait.ge [sflag:s4], $0x0  }
0x19: {  	s7 =	sld [smem:$0x3F96]  }
0x1a: {  	s8 =	sadd.s32 $0xFFFFE003, lr  }
0x1b: {  	s9 =	sadd.s32 $0xFFFFFEF7, lr;
	s5 =	simm.s32 $0xFFFFFFFF;
	p2 =	slt.u32 s8, $0xFFFFF086  }
0x1c: {  	p1 =	slt.u32 s9, $0xF7A;
	s5 =	simm.s32 @!p2 $0x0  }
0x1d: {  	s5 =	simm.s32 @p1 $0x1;
	p0 =	seq.s32 s7, s2  }
0x1e: {  	s7 =	smul.u32 @!p0 $0xF7A, s2;
	p2 =	seq.s32 @!p0 s5, $0x0  }
0x1f: {  	s9 =	smul.u32 $0xF7A, s1;
	s8 =	simm.s32 @!p0 $0x1BF5;
	p2 =	por !p2, p0  }
0x20: {  	[sflag:s8] =	ssyncset.s32 @!p0 $0xFFFFF086;
	s6 =	sadd.s32 @!p0 s3, s7;
	s7 =	simm.s32 @!p0 $0x108  }
0x21: {  	s3 =	sadd.s32 s3, s9;
	s6 =	sadd.s32 @!p0 $0x88, s6;
	s7 =	simm.s32 @p2 $0x1082  }
0x22: {  	[simem:s7], [sflag:s8] =	dma.local @!p0 [hbm:s6], $0xF7A  }
0x23: {  	s9 =	sor.u32 $0xD0000000, s2;
	s6 =	simm.s32 $0x108;
	_ =	swait.ge @!p0 [sflag:s8], $0x0  }
0x24: {  	s3 =	sadd.s32 $0x88, s3;
	s6 =	simm.s32 @!p1 $0x1082;
	[sflag:s4] =	ssyncset.s32 $0xFFFFF086  }
0x25: {  	[simem:s6], [sflag:s4] =	dma.local [hbm:s3], $0xF7A  }
0x26: {  	[smem:$0x3F96] =	sst s1;
	(tag) =	ssettag s2;
	_ =	strace s9  }
0x27: {  	s1 =	sld [smem:$0x3FA6]  }
0x28: {  	s2 =	sld [smem:$0x3FA7]  }
0x29: {  	s4 =	sld [smem:$0x3FA9]  }
0x2a: {  	p0 =	seq.s32 s5, $0x0;
	s5 =	sld [smem:$0x3FAA]  }
0x2b: {  	s6 =	sld [smem:$0x3FAB]  }
0x2c: {  	s7 =	sld [smem:$0x3FAC]  }
0x2d: {  	s3 =	simm.s32 $0x108;
	s8 =	sld [smem:$0x3FAD]  }
0x2e: {  	s3 =	simm.s32 @!p0 $0x1082;
	s9 =	sld [smem:$0x3FAE]  }
0x2f: {  	lr =	sadd.s32 s0, s3;
	s0 =	sld [smem:$0x3FA5]  }
0x30: {  	s3 =	sld [smem:$0x3FA8]  }
0x31: {  	[smem:$0x3FB1] =	sst s10  }
0x32: {  	s10 =	sld [smem:$0x3FAF];
	_ =	sdelay $0x3  }
0x33: {  	p0 =	seq.s32 s10, $0x1;
	s10 =	sld [smem:$0x3FB1];
	_ =	sdelay $0x3  }
0x34: {  	[smem:$0x3FB1] =	sst s10  }
0x35: {  	s10 =	sld [smem:$0x3FB0];
	_ =	sdelay $0x3  }
0x36: {  	p1 =	seq.s32 s10, $0x1;
	s10 =	sld [smem:$0x3FB1];
	_ =	sdelay $0x3  }
0x37: {  	[smem:$0x3FB1] =	sst s10  }
0x38: {  	s10 =	sld [smem:$0x3FB2]  }
0x39: {  	_ = 	snop;
	(pc) =	sbr.ind lr, $3  }
0x3a: {  	_ = 	snop  }
0x3b: {  	_ = 	snop  }
0x3c: {  	p2 =	seq.s32 s10, $0x1;
	s10 =	sld [smem:$0x3FB1]  }
0x3d: {  	_ =	shalt  }
0x3e: {  	_ =	shalt  }
0x3f: {  	_ =	shalt  }
0x40: {  	_ =	shalt  }
0x41: {  	_ =	shalt  }
0x42: {  	_ =	shalt  }
0x43: {  	_ =	shalt  }
0x44: {  	_ =	shalt  }
0x45: {  	_ =	shalt  }
0x46: {  	_ =	shalt  }
0x47: {  	_ =	shalt  }
0x48: {  	_ =	shalt  }
0x49: {  	_ =	shalt  }
0x4a: {  	_ =	shalt  }
0x4b: {  	_ =	shalt  }
0x4c: {  	_ =	shalt  }
0x4d: {  	_ =	shalt  }
0x4e: {  	_ =	shalt  }
0x4f: {  	_ =	shalt  }
0x50: {  	_ =	shalt  }
0x51: {  	_ =	shalt  }
0x52: {  	_ =	shalt  }
0x53: {  	_ =	shalt  }
0x54: {  	_ =	shalt  }
0x55: {  	_ =	shalt  }
0x56: {  	_ =	shalt  }
0x57: {  	_ =	shalt  }
0x58: {  	_ =	shalt  }
0x59: {  	_ =	shalt  }
0x5a: {  	_ =	shalt  }
0x5b: {  	_ =	shalt  }
0x5c: {  	_ =	shalt  }
0x5d: {  	_ =	shalt  }
0x5e: {  	_ =	shalt  }
0x5f: {  	_ =	shalt  }
0x60: {  	_ =	shalt  }
0x61: {  	_ =	shalt  }
0x62: {  	_ =	shalt  }
0x63: {  	_ =	shalt  }
0x64: {  	_ =	shalt  }
0x65: {  	_ =	shalt  }
0x66: {  	_ =	shalt  }
0x67: {  	_ =	shalt  }
0x68: {  	_ =	shalt  }
0x69: {  	_ =	shalt  }
0x6a: {  	_ =	shalt  }
0x6b: {  	_ =	shalt  }
0x6c: {  	_ =	shalt  }
0x6d: {  	_ =	shalt  }
0x6e: {  	_ =	shalt  }
0x6f: {  	_ =	shalt  }
0x70: {  	_ =	shalt  }
0x71: {  	_ =	shalt  }
0x72: {  	_ =	shalt  }
0x73: {  	_ =	shalt  }
0x74: {  	_ =	shalt  }
0x75: {  	_ =	shalt  }
0x76: {  	_ =	shalt  }
0x77: {  	_ =	shalt  }
0x78: {  	_ =	shalt  }
0x79: {  	_ =	shalt  }
0x7a: {  	_ =	shalt  }
0x7b: {  	_ =	shalt  }
0x7c: {  	_ =	shalt  }
0x7d: {  	_ =	shalt  }
0x7e: {  	_ =	shalt  }
0x7f: {  	_ =	shalt  }
0x80: {  	_ =	shalt  }
0x81: {  	_ =	shalt  }
0x82: {  	_ =	shalt  }
0x83: {  	_ =	shalt  }
0x84: {  	_ =	shalt  }
0x85: {  	_ =	shalt  }
0x86: {  	_ =	shalt  }
0x87: {  	_ =	shalt  }
.Lfunc_end0:
.L_simem_size_0:
called_computation.2_lowered:
.L_overlay_start_0:
0x88: {  	s2 =	sld [smem:$0x3FD9]  }
0x89: {  	s3 =	sld [smem:$0x3FFE];
	_ =	sdelay $0x1  }
0x8a: {  	s1 =	srdreg.scid  }
0x8b: {  	s0 =	sand.u32 $0x1, s1  }
0x8c: {  	s17 =	sshll.u32 s0, $0xA;
	s2 =	sadd.s32 s3, s2  }
0x8d: {  	s2 =	sadd.s32 s2, s17  }
0x8e: {  	[smem:$0x3FBD] =	sst s2  }
0x8f: {  	_ = 	snop  }
0x90: {  	s2 =	sld [smem:$0x3FD0];
	(tm) =	ssettm $0x1  }
0x91: {  	s18 =	sld [smem:$0x3FFB];
	_ =	sdelay $0x3  }
0x92: {  	_ =	strace s18  }
0x93: {  	s3 =	sld [smem:$0x3FFC];
	_ =	sdelay $0x3  }
0x94: {  	_ =	strace s3  }
0x95: {  	s3 =	sld [smem:$0x3FFD];
	_ =	sdelay $0x3  }
0x96: {  	_ =	strace s3  }
0x97: {  	_ =	strace $0x8FFFFFFF  }
0x98: {  	s19 =	sld [smem:$0x3FDB];
	_ =	sdelay $0x1  }
0x99: {  	s4 =	simm.s32 $_scs_section_size  }
0x9a: {  	s5 =	simm.s32 $_size__tile_overlayer_lowered;
	s6 =	simm.s32 $_tile_overlayer_lowered  }
0x9b: {  	s22 =	simm.s32 $0x1BFF;
	s21 =	sshll.u32 s6, $0x1;
	s3 =	sadd.s32 s4, s19  }
0x9c: {  	s7 =	simm.s32 $0x0;
	s20 =	sshll.u32 s5, $0x1;
	s5 =	sadd.s32 s21, s3  }
0x9d: {  	[timem:s7], [sflag:s22] =	dma.local [hbm:s5], s20  }
0x9e: {  	_ =	swait.ge [sflag:s22], s20  }
0x9f: {  	s4 =	ssub.s32 $0x0, s20;
	[sflag:s22] =	ssyncset.done $0x0  }
0xa0: {  	[sflag:s22] =	ssyncadd.s32 s4;
	_ =	sdelay $0x1  }
0xa1: {  	s23 =	simm.s32 $0x1B8B  }
0xa2: {  	_ =	swait.ge [sflag:s23], $0x1  }
0xa3: {  	[sflag:s23] =	ssyncset.done $0x0  }
0xa4: {  	s25 =	simm.s32 $0x1B8E;
	s24 =	sld [smem:$0x3FFE];
	[sflag:s23] =	ssyncadd.s32 $0xFFFFFFFF  }
0xa5: {  	s26 =	simm.s32 $execute0_lowered;
	[smem:$0x3FD2] =	sst s25  }
0xa6: {  	s5 =	sshll.u32 s26, $0x1;
	_ =	strace $0x8000004C;
	[dreg:$0x1] =	wrdreg $0xFFFFFFFF  }
0xa7: {  	s28 =	simm.s32 $_size_execute0_lowered;
	s3 =	sadd.s32 s3, s5;
	[dreg:$0x0] =	wrdreg $0x0  }
0xa8: {  	s5 =	sshll.u32 s28, $0x1;
	[dreg:$0x2] =	wrdreg s3  }
0xa9: {  	[dreg:$0x3] =	wrdreg s5  }
0xaa: {  	[dreg:$0x4] =	wrdreg $0xC0  }
0xab: {  	_ =	task [dreg:s7], $0x5FFFF  }
0xac: {  	[dreg:$0x1] =	wrdreg $0xFFFFFFFF  }
0xad: {  	[dreg:$0x0] =	wrdreg $0x60  }
0xae: {  	[dreg:$0x2] =	wrdreg s2  }
0xaf: {  	[dreg:$0x3] =	wrdreg s24  }
0xb0: {  	[dreg:$0x4] =	wrdreg $0x0  }
0xb1: {  	[dreg:$0x5] =	wrdreg $0x9  }
0xb2: {  	_ =	task.clear_ibuf [dreg:s7], $0x6FFFF;
	_ =	strace $0x9000004C  }
0xb3: {  	s29 =	simm.s32 $0x9;
	_ =	strace $0x8000004E  }
0xb4: {  	_ =	swait.ge [sflag:s29], $0x1  }
0xb5: {  	[sflag:s29] =	ssyncadd.s32 $0xFFFFFFFF  }
0xb6: {  	_ =	strace $0x9000004E  }
0xb7: {  	_ =	sfence  }
0xb8: {  	s30 =	sld [smem:$0x0];
	_ =	sdelay $0x2  }
0xb9: {  	s31 =	sshll.u32 s1, $0xD;
	s1 =	sshrl.u32 s1, $0x2  }
0xba: {  	s3 =	sand.u32 $0x4000, s31;
	s1 =	sadd.s32 s1, s30  }
0xbb: {  	s0 =	sor.u32 s3, s0;
	s1 =	sshll.u32 s1, $0x11  }
0xbc: {  	s0 =	sor.u32 s1, s0  }
0xbd: {  	s0 =	sadd.s32 $0x8F2B, s0  }
0xbe: {  	[sflag:s0] =	ssyncadd.remote.s32 $0x1  }
0xbf: {  	_ =	sfence.sel $0xFFFF  }
0xc0: {  	[dreg:$0x0] =	wrdreg $0xFFFFFFFF;
	(pc) =	sbr.abs _section_cstart, $3  }
0xc1: {  	[dreg:$0x1] =	wrdreg $0xFFFFFFFF  }
0xc2: {  	_ =	task.clear_ibuf [dreg:s7], $0x2FFFF;
	_ =	strace $0x9FFFFFFF  }
0xc3: {  	(tm) =	ssettm $0x7FFFFFFF  }
tec
execute0_lowered:
.L_overlay_start_1:
0x0: {  	(tag) =	ssettag $0x1  }
0x1: {  	s2 =	rddreg [dreg:$0x0]  }
0x2: {  	s5 =	rddreg [dreg:$0x1]  }
0x3: {  	s3 =	rddreg [dreg:$0x2]  }
0x4: {  	s0 =	rddreg [dreg:$0x3];
	s1 =	stileid.u32  }
0x5: {  	s7 =	srdreg.scid;
	s4 =	simm.s32 $0x0;
	s13 =	simm.s32 $0x13C00  }
0x6: {  	s14 =	simm.s32 $0x13C80;
	s15 =	simm.s32 $0x80;
	s6 =	smul.u32 $0x9E0, s1  }
0x7: {  	s16 =	simm.s32 $0x13D00;
	s17 =	simm.s32 $0x0;
	s8 =	smul.u32 $0x13C00, s1  }
0x8: {  	s7 =	sand.u32 $0x1, s7;
	[smem:$0x7FF] =	sst s4;
	s28 =	smul.u32 $0x4F000, s1  }
0x9: {  	s30 =	sshll.u32 s1, $0x6;
	s9 =	smul.u32 $0x13C000, s7;
	_ =	strace $0x8000004D  }
0xa: {  	s11 =	ssub.s32 $0x2, s7;
	s31 =	sshll.u32 s7, $0x4;
	s10 =	sadd.s32 s6, s5  }
0xb: {  	s26 =	sshrl.u32 s8, $0x3;
	s29 =	sshrl.u32 s11, $0x1;
	s8 =	sadd.s32 s8, s9  }
0xc: {  	s6 =	sadd.s32 s26, s5;
	s9 =	sshrl.u32 s28, $0x2;
	s11 =	ssub.s32 s11, s29  }
0xd: {  	s10 =	sadd.s32 s31, s10;
	s8 =	sshrl.u32 s8, $0x3;
	s12 =	sadd.s32 s9, s3  }
0xe: {  	s9 =	sadd.s32 $0xE000, s10;
	s10 =	sadd.s32 $0x4200, s10;
	s8 =	sadd.s32 s8, s5  }
0xf: {  	s5 =	sadd.s32 $0x17E00, s6;
	s6 =	sor.u32 $0x1C01, s30;
	s7 =	sadd.s32 $0x8E600, s8  }
0x10: {  	s8 =	smax.u32 s11, $0x1;
	s11 =	sshrl.u32 s12, $0x3;
	s12 =	simm.s32 $0x1  }
.LBB2_1:
0x11: {  	[spmem:s11], [sflag:s6] =	dma.local [hbm:s5], $0x2780  }
0x12: {  	_ =	swait.ge [sflag:s12], $0x2780  }
0x13: {  	[sflag:s12] =	ssyncset.done $0x0  }
0x14: {  	[sflag:s12] =	ssyncadd.s32 $0xFFFFD880  }
0x15: {  	s18 =	sadd.s32 $0x0, s9;
	[bflag:$0x0] =	sbarrier.arrive $0xFFFF  }
0x16: {  	[tilespmem:s13], [sflag:$0x1] =	stream.linear.gather [hbm4b:s18+s4], $0x80, $0x38;
	[tilespmem:$0x17D00] =	vst v63  }
0x17: {  	_ =	swait.ge [sflag:s12], $0x80  }
0x18: {  	[sflag:s12] =	ssyncset.done $0x0  }
0x19: {  	s31 =	sadd.s32 $0x0, s10;
	[sflag:s12] =	ssyncadd.s32 $0xFFFFFF80  }
0x1a: {  	[tilespmem:s14], [sflag:$0x1] =	stream.linear.gather [hbm4b:s31+s4], $0x80, $0x38;
	[tilespmem:$0x17D00] =	vst v63  }
0x1b: {  	_ =	swait.ge [sflag:s12], $0x80  }
0x1c: {  	[sflag:s12] =	ssyncset.done $0x0  }
0x1d: {  	[sflag:s12] =	ssyncadd.s32 $0xFFFFFF80  }
0x1e: {  	[tilespmem:s16], [sflag:$0x1] =	stream.indirect.gather [hbm4b:s2+s15], $0x80, s13, s15, $0xb8;
	[tilespmem:$0x17D00] =	vst v63  }
0x1f: {  	_ =	swait.ge [sflag:s12], $0x4000  }
0x20: {  	[sflag:s12] =	ssyncset.done $0x0  }
0x21: {  	[sflag:s12] =	ssyncadd.s32 $0xFFFFC000  }
0x22: {  	[spmem:s3] =	stream.indirect.scatter.add.f32 [tilespmem:s16], [sflag:$0x1], $0x80, s14, s15, $0xb8;
	[tilespmem:$0x17D00] =	vst v63  }
0x23: {  	_ =	swait.ge [sflag:s12], $0x4000  }
0x24: {  	s19 =	simm.s32 $0x40;
	s18 =	simm.s32 $0x20;
	[sflag:s12] =	ssyncset.done $0x0  }
.LBB2_2:
0x25: {  	s20 =	sadd.s32 s18, s9  }
0x26: {  	[sflag:s12] =	ssyncadd.s32 $0xFFFFC000;
	s21 =	smov.u32 s19;
	s22 =	sadd.s32 $0x20, s19  }
0x27: {  	[tilespmem:s13], [sflag:$0x1] =	stream.linear.gather [hbm4b:s20+s4], $0x80, $0x38;
	[tilespmem:$0x17D00] =	vst v63  }
0x28: {  	p0 =	sne.s32 s19, $0x9C0;
	_ =	swait.ge [sflag:s12], $0x80  }
0x29: {  	[sflag:s12] =	ssyncset.done $0x0  }
0x2a: {  	s19 =	sadd.s32 s18, s10;
	s18 =	smov.u32 s21;
	[sflag:s12] =	ssyncadd.s32 $0xFFFFFF80  }
0x2b: {  	[tilespmem:s14], [sflag:$0x1] =	stream.linear.gather [hbm4b:s19+s4], $0x80, $0x38;
	[tilespmem:$0x17D00] =	vst v63  }
0x2c: {  	_ =	swait.ge [sflag:s12], $0x80  }
0x2d: {  	[sflag:s12] =	ssyncset.done $0x0  }
0x2e: {  	[sflag:s12] =	ssyncadd.s32 $0xFFFFFF80  }
0x2f: {  	[tilespmem:s16], [sflag:$0x1] =	stream.indirect.gather [hbm4b:s2+s15], $0x80, s13, s15, $0xb8;
	[tilespmem:$0x17D00] =	vst v63  }
0x30: {  	_ =	swait.ge [sflag:s12], $0x4000  }
.Ltmp0:
0x31: {  	[sflag:s12] =	ssyncset.done $0x0;
	(pc) =	sbr.rel @p0 .LBB2_2-.Ltmp0, $4  }
0x32: {  	[sflag:s12] =	ssyncadd.s32 $0xFFFFC000  }
0x33: {  	[spmem:s3] =	stream.indirect.scatter.add.f32 [tilespmem:s16], [sflag:$0x1], $0x80, s14, s15, $0xb8;
	[tilespmem:$0x17D00] =	vst v63  }
0x34: {  	_ =	swait.ge [sflag:s12], $0x4000  }
0x35: {  	s19 =	smov.u32 s22;
	[sflag:s12] =	ssyncset.done $0x0  }
0x36: {  	s19 =	sadd.s32 s18, s9;
	[sflag:s12] =	ssyncadd.s32 $0xFFFFC000  }
0x37: {  	[tilespmem:s13], [sflag:$0x1] =	stream.linear.gather [hbm4b:s19+s4], $0x80, $0x38;
	[tilespmem:$0x17D00] =	vst v63  }
0x38: {  	_ =	swait.ge [sflag:s12], $0x80  }
0x39: {  	[sflag:s12] =	ssyncset.done $0x0  }
0x3a: {  	s31 =	sadd.s32 s18, s10;
	[sflag:s12] =	ssyncadd.s32 $0xFFFFFF80  }
0x3b: {  	[tilespmem:s14], [sflag:$0x1] =	stream.linear.gather [hbm4b:s31+s4], $0x80, $0x38;
	[tilespmem:$0x17D00] =	vst v63  }
0x3c: {  	_ =	swait.ge [sflag:s12], $0x80  }
0x3d: {  	[sflag:s12] =	ssyncset.done $0x0  }
0x3e: {  	[sflag:s12] =	ssyncadd.s32 $0xFFFFFF80  }
0x3f: {  	[tilespmem:s16], [sflag:$0x1] =	stream.indirect.gather [hbm4b:s2+s15], $0x80, s13, s15, $0xb8;
	[tilespmem:$0x17D00] =	vst v63  }
0x40: {  	_ =	swait.ge [sflag:s12], $0x4000  }
0x41: {  	[sflag:s12] =	ssyncset.done $0x0  }
0x42: {  	[sflag:s12] =	ssyncadd.s32 $0xFFFFC000  }
0x43: {  	[spmem:s3] =	stream.indirect.scatter.add.f32 [tilespmem:s16], [sflag:$0x1], $0x80, s14, s15, $0xb8;
	[tilespmem:$0x17D00] =	vst v63  }
0x44: {  	_ =	swait.ge [sflag:s12], $0x4000  }
0x45: {  	s17 =	sadd.s32 $0x1, s17;
	[sflag:s12] =	ssyncset.done $0x0  }
0x46: {  	p0 =	sne.s32 s17, s8;
	[sflag:s12] =	ssyncadd.s32 $0xFFFFC000  }
.Ltmp1:
0x47: {  	[bflag:$0x0] =	sbarrier.arrive $0xFFFF;
	(pc) =	sbr.rel @p0 .LBB2_1-.Ltmp1, $4  }
0x48: {  	[hbm:s7], [sflag:s6] =	dma.local [spmem:s11], $0x2780  }
0x49: {  	_ =	swait.ge [sflag:s12], $0x2780  }
0x4a: {  	[sflag:s12] =	ssyncset.done $0x0  }
0x4b: {  	[sflag:s12] =	ssyncadd.s32 $0xFFFFD880  }
0x4c: {  	_ =	sfence.sel $0x180000  }
0x4d: {  	[bflag:$0x0] =	sbarrier.arrive $0xFFFF  }
0x4e: {  	p0 =	sne.s32 s1, $0x0;
	_ =	strace $0x9000004D  }
0x4f: {  	s0 =	sadd.s32 @!p0 $0x100000, s0;
	[bflag:$0x2] =	sbarrier.arrive $0xFFFF  }
0x50: {  	[sflag:s0] =	ssyncadd.tile.s32 @!p0 $0x1;
	_ =	shalt  }
.Lfunc_end2:
_tile_overlayer_lowered:
.L_overlay_start_2:
0x51: {  	(tag) =	ssettag $0x2  }
0x52: {  	s0 =	rddreg [dreg:$0x0];
	s2 =	stileid.u32  }
0x53: {  	s1 =	rddreg [dreg:$0x1];
	p0 =	sne.s32 s2, $0x0  }
0x54: {  	s3 =	rddreg [dreg:$0x2];
	[bflag:$0x3] =	sbarrier.arrive $0xFFFF;
	s2 =	simm.s32 @!p0 $0x1C01  }
0x55: {  	[timem:s3], [sflag:s2] =	dma.local @!p0 [hbm:s0], s1  }
0x56: {  	s0 =	simm.s32 @!p0 $0x1  }
0x57: {  	_ =	swait.ge @!p0 [sflag:s0], s1  }
0x58: {  	s1 =	ssub.s32 @!p0 $0x0, s1;
	[sflag:s0] =	ssyncset.done @!p0 $0x0  }
0x59: {  	[sflag:s0] =	ssyncadd.s32 @!p0 s1  }
0x5a: {  	[bflag:$0x3] =	sbarrier.arrive $0xFFFF  }
0x5b: {  	_ =	shalt  }

// kernel: kernel.7.cloned.1.call-start
scs
__scs_entry_jumppad:
0x0: {  	(pc) =	sbr.rel $0x88, $3  }
0x1: {  	(tag) =	ssettag $0x0;
	lr =	simm.s32 $0x1  }
0x2: {  	[smem:$0x3F96] =	sst lr;
	_ =	strace $0xD0000000  }
0x3: {  	_ = 	snop  }
0x4: {  	_ = 	snop  }
0x5: {  	_ = 	snop  }
0x6: {  	_ = 	snop  }
0x7: {  	_ = 	snop  }
__scs_overlays_trampoline_lowered:
0x8: {  	[smem:$0x3FA5] =	sst s0  }
0x9: {  	[smem:$0x3FA6] =	sst s1  }
0xa: {  	[smem:$0x3FA7] =	sst s2  }
0xb: {  	[smem:$0x3FA8] =	sst s3  }
0xc: {  	[smem:$0x3FA9] =	sst s4  }
0xd: {  	[smem:$0x3FAA] =	sst s5  }
0xe: {  	[smem:$0x3FAB] =	sst s6  }
0xf: {  	[smem:$0x3FAC] =	sst s7  }
0x10: {  	[smem:$0x3FAD] =	sst s8  }
0x11: {  	[smem:$0x3FAE] =	sst s9;
	s0 =	simm.s32 @!p0 $0x0  }
0x12: {  	s1 =	sld [smem:$0x3F94];
	s0 =	simm.s32 @p0 $0x1  }
0x13: {  	[smem:$0x3FAF] =	sst s0;
	s0 =	simm.s32 @!p1 $0x0  }
0x14: {  	s2 =	sld [smem:$0x3F93];
	s0 =	simm.s32 @p1 $0x1  }
0x15: {  	[smem:$0x3FB0] =	sst s0;
	s0 =	simm.s32 @!p2 $0x0  }
0x16: {  	s3 =	sld [smem:$0x3FDB];
	s0 =	simm.s32 @p2 $0x1  }
0x17: {  	s4 =	simm.s32 $0x1BF5;
	[smem:$0x3FB2] =	sst s0  }
0x18: {  	s0 =	sld [smem:$0x3F95];
	_ =	swait.ge [sflag:s4], $0x0  }
0x19: {  	s7 =	sld [smem:$0x3F96]  }
0x1a: {  	s8 =	sadd.s32 $0xFFFFE003, lr  }
0x1b: {  	s9 =	sadd.s32 $0xFFFFFEF7, lr;
	s5 =	simm.s32 $0xFFFFFFFF;
	p2 =	slt.u32 s8, $0xFFFFF086  }
0x1c: {  	p1 =	slt.u32 s9, $0xF7A;
	s5 =	simm.s32 @!p2 $0x0  }
0x1d: {  	s5 =	simm.s32 @p1 $0x1;
	p0 =	seq.s32 s7, s2  }
0x1e: {  	s7 =	smul.u32 @!p0 $0xF7A, s2;
	p2 =	seq.s32 @!p0 s5, $0x0  }
0x1f: {  	s9 =	smul.u32 $0xF7A, s1;
	s8 =	simm.s32 @!p0 $0x1BF5;
	p2 =	por !p2, p0  }
0x20: {  	[sflag:s8] =	ssyncset.s32 @!p0 $0xFFFFF086;
	s6 =	sadd.s32 @!p0 s3, s7;
	s7 =	simm.s32 @!p0 $0x108  }
0x21: {  	s3 =	sadd.s32 s3, s9;
	s6 =	sadd.s32 @!p0 $0x88, s6;
	s7 =	simm.s32 @p2 $0x1082  }
0x22: {  	[simem:s7], [sflag:s8] =	dma.local @!p0 [hbm:s6], $0xF7A  }
0x23: {  	s9 =	sor.u32 $0xD0000000, s2;
	s6 =	simm.s32 $0x108;
	_ =	swait.ge @!p0 [sflag:s8], $0x0  }
0x24: {  	s3 =	sadd.s32 $0x88, s3;
	s6 =	simm.s32 @!p1 $0x1082;
	[sflag:s4] =	ssyncset.s32 $0xFFFFF086  }
0x25: {  	[simem:s6], [sflag:s4] =	dma.local [hbm:s3], $0xF7A  }
0x26: {  	[smem:$0x3F96] =	sst s1;
	(tag) =	ssettag s2;
	_ =	strace s9  }
0x27: {  	s1 =	sld [smem:$0x3FA6]  }
0x28: {  	s2 =	sld [smem:$0x3FA7]  }
0x29: {  	s4 =	sld [smem:$0x3FA9]  }
0x2a: {  	p0 =	seq.s32 s5, $0x0;
	s5 =	sld [smem:$0x3FAA]  }
0x2b: {  	s6 =	sld [smem:$0x3FAB]  }
0x2c: {  	s7 =	sld [smem:$0x3FAC]  }
0x2d: {  	s3 =	simm.s32 $0x108;
	s8 =	sld [smem:$0x3FAD]  }
0x2e: {  	s3 =	simm.s32 @!p0 $0x1082;
	s9 =	sld [smem:$0x3FAE]  }
0x2f: {  	lr =	sadd.s32 s0, s3;
	s0 =	sld [smem:$0x3FA5]  }
0x30: {  	s3 =	sld [smem:$0x3FA8]  }
0x31: {  	[smem:$0x3FB1] =	sst s10  }
0x32: {  	s10 =	sld [smem:$0x3FAF];
	_ =	sdelay $0x3  }
0x33: {  	p0 =	seq.s32 s10, $0x1;
	s10 =	sld [smem:$0x3FB1];
	_ =	sdelay $0x3  }
0x34: {  	[smem:$0x3FB1] =	sst s10  }
0x35: {  	s10 =	sld [smem:$0x3FB0];
	_ =	sdelay $0x3  }
0x36: {  	p1 =	seq.s32 s10, $0x1;
	s10 =	sld [smem:$0x3FB1];
	_ =	sdelay $0x3  }
0x37: {  	[smem:$0x3FB1] =	sst s10  }
0x38: {  	s10 =	sld [smem:$0x3FB2]  }
0x39: {  	_ = 	snop;
	(pc) =	sbr.ind lr, $3  }
0x3a: {  	_ = 	snop  }
0x3b: {  	_ = 	snop  }
0x3c: {  	p2 =	seq.s32 s10, $0x1;
	s10 =	sld [smem:$0x3FB1]  }
0x3d: {  	_ =	shalt  }
0x3e: {  	_ =	shalt  }
0x3f: {  	_ =	shalt  }
0x40: {  	_ =	shalt  }
0x41: {  	_ =	shalt  }
0x42: {  	_ =	shalt  }
0x43: {  	_ =	shalt  }
0x44: {  	_ =	shalt  }
0x45: {  	_ =	shalt  }
0x46: {  	_ =	shalt  }
0x47: {  	_ =	shalt  }
0x48: {  	_ =	shalt  }
0x49: {  	_ =	shalt  }
0x4a: {  	_ =	shalt  }
0x4b: {  	_ =	shalt  }
0x4c: {  	_ =	shalt  }
0x4d: {  	_ =	shalt  }
0x4e: {  	_ =	shalt  }
0x4f: {  	_ =	shalt  }
0x50: {  	_ =	shalt  }
0x51: {  	_ =	shalt  }
0x52: {  	_ =	shalt  }
0x53: {  	_ =	shalt  }
0x54: {  	_ =	shalt  }
0x55: {  	_ =	shalt  }
0x56: {  	_ =	shalt  }
0x57: {  	_ =	shalt  }
0x58: {  	_ =	shalt  }
0x59: {  	_ =	shalt  }
0x5a: {  	_ =	shalt  }
0x5b: {  	_ =	shalt  }
0x5c: {  	_ =	shalt  }
0x5d: {  	_ =	shalt  }
0x5e: {  	_ =	shalt  }
0x5f: {  	_ =	shalt  }
0x60: {  	_ =	shalt  }
0x61: {  	_ =	shalt  }
0x62: {  	_ =	shalt  }
0x63: {  	_ =	shalt  }
0x64: {  	_ =	shalt  }
0x65: {  	_ =	shalt  }
0x66: {  	_ =	shalt  }
0x67: {  	_ =	shalt  }
0x68: {  	_ =	shalt  }
0x69: {  	_ =	shalt  }
0x6a: {  	_ =	shalt  }
0x6b: {  	_ =	shalt  }
0x6c: {  	_ =	shalt  }
0x6d: {  	_ =	shalt  }
0x6e: {  	_ =	shalt  }
0x6f: {  	_ =	shalt  }
0x70: {  	_ =	shalt  }
0x71: {  	_ =	shalt  }
0x72: {  	_ =	shalt  }
0x73: {  	_ =	shalt  }
0x74: {  	_ =	shalt  }
0x75: {  	_ =	shalt  }
0x76: {  	_ =	shalt  }
0x77: {  	_ =	shalt  }
0x78: {  	_ =	shalt  }
0x79: {  	_ =	shalt  }
0x7a: {  	_ =	shalt  }
0x7b: {  	_ =	shalt  }
0x7c: {  	_ =	shalt  }
0x7d: {  	_ =	shalt  }
0x7e: {  	_ =	shalt  }
0x7f: {  	_ =	shalt  }
0x80: {  	_ =	shalt  }
0x81: {  	_ =	shalt  }
0x82: {  	_ =	shalt  }
0x83: {  	_ =	shalt  }
0x84: {  	_ =	shalt  }
0x85: {  	_ =	shalt  }
0x86: {  	_ =	shalt  }
0x87: {  	_ =	shalt  }
.Lfunc_end0:
.L_simem_size_0:
called_computation_lowered:
.L_overlay_start_0:
0x88: {  	s2 =	sld [smem:$0x3FD9]  }
0x89: {  	s3 =	sld [smem:$0x3FFE];
	_ =	sdelay $0x1  }
0x8a: {  	s1 =	srdreg.scid  }
0x8b: {  	s0 =	sand.u32 $0x1, s1  }
0x8c: {  	s17 =	sshll.u32 s0, $0xA;
	s2 =	sadd.s32 s3, s2  }
0x8d: {  	s2 =	sadd.s32 s2, s17  }
0x8e: {  	[smem:$0x3FBD] =	sst s2  }
0x8f: {  	_ = 	snop  }
0x90: {  	s18 =	sld [smem:$0x3FD0];
	(tm) =	ssettm $0x1  }
0x91: {  	s19 =	sld [smem:$0x3FFB];
	_ =	sdelay $0x3  }
0x92: {  	_ =	strace s19  }
0x93: {  	s2 =	sld [smem:$0x3FFC];
	_ =	sdelay $0x3  }
0x94: {  	_ =	strace s2  }
0x95: {  	s2 =	sld [smem:$0x3FFD];
	_ =	sdelay $0x3  }
0x96: {  	_ =	strace s2  }
0x97: {  	_ =	strace $0x8FFFFFFF  }
0x98: {  	s20 =	sld [smem:$0x3FDB];
	_ =	sdelay $0x1  }
0x99: {  	s4 =	simm.s32 $_scs_section_size  }
0x9a: {  	s5 =	simm.s32 $_size__tile_overlayer_lowered;
	s6 =	simm.s32 $_tile_overlayer_lowered  }
0x9b: {  	s7 =	simm.s32 $0x1BFF;
	s21 =	sshll.u32 s6, $0x1;
	s4 =	sadd.s32 s4, s20  }
0x9c: {  	s22 =	simm.s32 $0x0;
	s5 =	sshll.u32 s5, $0x1;
	s6 =	sadd.s32 s21, s4  }
0x9d: {  	[timem:s22], [sflag:s7] =	dma.local [hbm:s6], s5  }
0x9e: {  	_ =	swait.ge [sflag:s7], s5  }
0x9f: {  	s5 =	ssub.s32 $0x0, s5;
	[sflag:s7] =	ssyncset.done $0x0  }
0xa0: {  	[sflag:s7] =	ssyncadd.s32 s5;
	_ =	sdelay $0x1  }
0xa1: {  	s23 =	simm.s32 $0x1B8B  }
0xa2: {  	_ =	swait.ge [sflag:s23], $0x1  }
0xa3: {  	[sflag:s23] =	ssyncset.done $0x0  }
0xa4: {  	[sflag:s23] =	ssyncadd.s32 $0xFFFFFFFF  }
0xa5: {  	s5 =	sld [smem:$0x0]  }
0xa6: {  	s6 =	sand.u32 $0xFFFFFFFE, s1  }
0xa7: {  	p0 =	sne.s32 s1, s6  }
0xa8: {  	s6 =	sshll.u32 @p0 s6, $0xE  }
0xa9: {  	s6 =	sadd.s32 @p0 $0x11B8D, s6;
	s7 =	sshll.u32 @p0 s5, $0x11  }
0xaa: {  	s6 =	sor.u32 @p0 s7, s6  }
0xab: {  	[sflag:s6] =	ssyncadd.remote.s32 @p0 $0x1;
	_ =	sdelay $0x1  }
0xac: {  	s6 =	simm.s32 @p0 $0x1B8D  }
0xad: {  	_ =	swait.eq @p0 [sflag:s6], $0x1  }
0xae: {  	[sflag:s6] =	ssyncadd.s32 @p0 $0xFFFFFFFF  }
0xaf: {  	s7 =	sshll.u32 @!p0 s1, $0xE  }
0xb0: {  	s7 =	sor.u32 @!p0 $0x4000, s7;
	s6 =	simm.s32 @!p0 $0x1B8D  }
0xb1: {  	s5 =	sshll.u32 @!p0 s5, $0x11;
	s7 =	sadd.s32 @!p0 $0x11B8D, s7;
	_ =	swait.eq @!p0 [sflag:s6], $0x1  }
0xb2: {  	s5 =	sor.u32 @!p0 s5, s7;
	[sflag:s6] =	ssyncadd.s32 @!p0 $0xFFFFFFFF  }
0xb3: {  	s25 =	simm.s32 $0x1B8E;
	s24 =	sld [smem:$0x3FFE];
	[sflag:s5] =	ssyncadd.remote.s32 @!p0 $0x1  }
0xb4: {  	s26 =	simm.s32 $execute0_lowered;
	[smem:$0x3FD2] =	sst s25  }
0xb5: {  	s6 =	sshll.u32 s26, $0x1;
	_ =	strace $0x80000049;
	[dreg:$0x1] =	wrdreg $0xFFFFFFFF  }
0xb6: {  	s28 =	simm.s32 $_size_execute0_lowered;
	s4 =	sadd.s32 s4, s6;
	[dreg:$0x0] =	wrdreg $0x0  }
0xb7: {  	s6 =	sshll.u32 s28, $0x1;
	[dreg:$0x2] =	wrdreg s4  }
0xb8: {  	[dreg:$0x3] =	wrdreg s6  }
0xb9: {  	[dreg:$0x4] =	wrdreg $0xC0  }
0xba: {  	_ =	task [dreg:s22], $0x5FFFF  }
0xbb: {  	[dreg:$0x1] =	wrdreg $0xFFFFFFFF  }
0xbc: {  	[dreg:$0x0] =	wrdreg $0x60  }
0xbd: {  	[dreg:$0x2] =	wrdreg s24  }
0xbe: {  	[dreg:$0x3] =	wrdreg s18  }
0xbf: {  	[dreg:$0x4] =	wrdreg $0x0  }
0xc0: {  	[dreg:$0x5] =	wrdreg $0x9  }
0xc1: {  	_ =	task.clear_ibuf [dreg:s22], $0x6FFFF;
	_ =	strace $0x90000049  }
0xc2: {  	s29 =	simm.s32 $0x9;
	_ =	strace $0x8000004B  }
0xc3: {  	_ =	swait.ge [sflag:s29], $0x1  }
0xc4: {  	[sflag:s29] =	ssyncadd.s32 $0xFFFFFFFF  }
0xc5: {  	_ =	strace $0x9000004B  }
0xc6: {  	_ =	sfence  }
0xc7: {  	s30 =	sld [smem:$0x0];
	_ =	sdelay $0x2  }
0xc8: {  	s31 =	sshll.u32 s1, $0xD;
	s1 =	sshrl.u32 s1, $0x2  }
0xc9: {  	s4 =	sand.u32 $0x4000, s31;
	s1 =	sadd.s32 s1, s30  }
0xca: {  	s0 =	sor.u32 s4, s0;
	s1 =	sshll.u32 s1, $0x11  }
0xcb: {  	s0 =	sor.u32 s1, s0  }
0xcc: {  	s0 =	sadd.s32 $0x8F2B, s0  }
0xcd: {  	[sflag:s0] =	ssyncadd.remote.s32 $0x1  }
0xce: {  	_ =	sfence.sel $0xFFFF  }
0xcf: {  	[dreg:$0x0] =	wrdreg $0xFFFFFFFF;
	(pc) =	sbr.abs _section_cstart, $3  }
0xd0: {  	[dreg:$0x1] =	wrdreg $0xFFFFFFFF  }
0xd1: {  	_ =	task.clear_ibuf [dreg:s22], $0x2FFFF;
	_ =	strace $0x9FFFFFFF  }
0xd2: {  	(tm) =	ssettm $0x7FFFFFFF  }
0xd3: {  	_ =	shalt  }
tec
execute0_lowered:
.L_overlay_start_1:
0x0: {  	(tag) =	ssettag $0x1  }
0x1: {  	s5 =	rddreg [dreg:$0x0]  }
0x2: {  	s2 =	rddreg [dreg:$0x1]  }
0x3: {  	s3 =	rddreg [dreg:$0x2]  }
0x4: {  	s0 =	rddreg [dreg:$0x3]  }
0x5: {  	s1 =	stileid.u32;
	s7 =	srdreg.scid  }
0x6: {  	s4 =	simm.s32 $0x0;
	s13 =	simm.s32 $0x13C00;
	s6 =	smul.u32 $0x9E0, s1  }
0x7: {  	s14 =	simm.s32 $0x80;
	s15 =	simm.s32 $0x0;
	s8 =	smul.u32 $0x13C00, s1  }
0x8: {  	s7 =	sand.u32 $0x1, s7;
	[smem:$0x7FF] =	sst s4;
	s11 =	smul.u32 $0x4F000, s1  }
0x9: {  	s31 =	sshll.u32 s1, $0x6;
	s9 =	smul.u32 $0x13C000, s7;
	_ =	strace $0x8000004A  }
0xa: {  	s29 =	ssub.s32 $0x2, s7;
	s7 =	sshll.u32 s7, $0x4;
	s10 =	sadd.s32 s6, s5  }
0xb: {  	s28 =	sshrl.u32 s8, $0x3;
	s12 =	sshrl.u32 s29, $0x1;
	s30 =	sshrl.u32 s11, $0x2  }
0xc: {  	s8 =	sadd.s32 s8, s9;
	s6 =	sadd.s32 s28, s5;
	s9 =	ssub.s32 s29, s12  }
0xd: {  	s11 =	sadd.s32 s30, s3;
	s10 =	sadd.s32 s7, s10;
	s8 =	sshrl.u32 s8, $0x3  }
0xe: {  	s12 =	simm.s32 $0x13C80;
	s8 =	sadd.s32 s8, s5;
	s5 =	sadd.s32 $0x17E00, s6  }
0xf: {  	s6 =	sor.u32 $0x1C01, s31;
	s7 =	sadd.s32 $0x8E600, s8;
	s8 =	smax.u32 s9, $0x1  }
0x10: {  	s9 =	sadd.s32 $0x4200, s10;
	s10 =	sshrl.u32 s11, $0x3;
	s11 =	simm.s32 $0x1  }
.LBB2_1:
0x11: {  	[spmem:s10], [sflag:s6] =	dma.local [hbm:s5], $0x2780  }
0x12: {  	_ =	swait.ge [sflag:s11], $0x2780  }
0x13: {  	[sflag:s11] =	ssyncset.done $0x0  }
0x14: {  	[sflag:s11] =	ssyncadd.s32 $0xFFFFD880  }
0x15: {  	[tilespmem:s12], [sflag:$0x1] =	stream.linear.gather [hbm4b:s2+s4], $0x4000, $0x38;
	[tilespmem:$0x17C80] =	vst v63  }
0x16: {  	_ =	swait.ge [sflag:s11], $0x4000  }
0x17: {  	[sflag:s11] =	ssyncset.done $0x0  }
0x18: {  	[sflag:s11] =	ssyncadd.s32 $0xFFFFC000  }
0x19: {  	s16 =	sadd.s32 $0x0, s9;
	[bflag:$0x0] =	sbarrier.arrive $0xFFFF  }
0x1a: {  	[tilespmem:s13], [sflag:$0x1] =	stream.linear.gather [hbm4b:s16+s4], $0x80, $0x38;
	[tilespmem:$0x17C80] =	vst v63  }
0x1b: {  	_ =	swait.ge [sflag:s11], $0x80  }
0x1c: {  	[sflag:s11] =	ssyncset.done $0x0  }
0x1d: {  	[sflag:s11] =	ssyncadd.s32 $0xFFFFFF80  }
0x1e: {  	[spmem:s3] =	stream.indirect.scatter.add.f32 [tilespmem:s12], [sflag:$0x1], $0x80, s13, s14, $0xb8;
	[tilespmem:$0x17C80] =	vst v63  }
0x1f: {  	_ =	swait.ge [sflag:s11], $0x4000  }
0x20: {  	s17 =	simm.s32 $0x40;
	s16 =	simm.s32 $0x20;
	[sflag:s11] =	ssyncset.done $0x0  }
.LBB2_2:
0x21: {  	s18 =	sadd.s32 s16, s9  }
0x22: {  	[sflag:s11] =	ssyncadd.s32 $0xFFFFC000;
	s16 =	smov.u32 s17;
	s19 =	sadd.s32 $0x20, s17  }
0x23: {  	[tilespmem:s13], [sflag:$0x1] =	stream.linear.gather [hbm4b:s18+s4], $0x80, $0x38;
	[tilespmem:$0x17C80] =	vst v63  }
0x24: {  	p0 =	sne.s32 s17, $0x9C0;
	_ =	swait.ge [sflag:s11], $0x80  }
.Ltmp0:
0x25: {  	[sflag:s11] =	ssyncset.done $0x0;
	(pc) =	sbr.rel @p0 .LBB2_2-.Ltmp0, $4  }
0x26: {  	[sflag:s11] =	ssyncadd.s32 $0xFFFFFF80  }
0x27: {  	[spmem:s3] =	stream.indirect.scatter.add.f32 [tilespmem:s12], [sflag:$0x1], $0x80, s13, s14, $0xb8;
	[tilespmem:$0x17C80] =	vst v63  }
0x28: {  	_ =	swait.ge [sflag:s11], $0x4000  }
0x29: {  	s17 =	smov.u32 s19;
	[sflag:s11] =	ssyncset.done $0x0  }
0x2a: {  	s16 =	sadd.s32 s16, s9;
	[sflag:s11] =	ssyncadd.s32 $0xFFFFC000  }
0x2b: {  	[tilespmem:s13], [sflag:$0x1] =	stream.linear.gather [hbm4b:s16+s4], $0x80, $0x38;
	[tilespmem:$0x17C80] =	vst v63  }
0x2c: {  	_ =	swait.ge [sflag:s11], $0x80  }
0x2d: {  	[sflag:s11] =	ssyncset.done $0x0  }
0x2e: {  	[sflag:s11] =	ssyncadd.s32 $0xFFFFFF80  }
0x2f: {  	[spmem:s3] =	stream.indirect.scatter.add.f32 [tilespmem:s12], [sflag:$0x1], $0x80, s13, s14, $0xb8;
	[tilespmem:$0x17C80] =	vst v63  }
0x30: {  	_ =	swait.ge [sflag:s11], $0x4000  }
0x31: {  	s15 =	sadd.s32 $0x1, s15;
	[sflag:s11] =	ssyncset.done $0x0  }
0x32: {  	p0 =	sne.s32 s15, s8;
	[sflag:s11] =	ssyncadd.s32 $0xFFFFC000  }
.Ltmp1:
0x33: {  	[bflag:$0x0] =	sbarrier.arrive $0xFFFF;
	(pc) =	sbr.rel @p0 .LBB2_1-.Ltmp1, $4  }
0x34: {  	[hbm:s7], [sflag:s6] =	dma.local [spmem:s10], $0x2780  }
0x35: {  	_ =	swait.ge [sflag:s11], $0x2780  }
0x36: {  	[sflag:s11] =	ssyncset.done $0x0  }
0x37: {  	[sflag:s11] =	ssyncadd.s32 $0xFFFFD880  }
0x38: {  	_ =	sfence.sel $0x180000  }
0x39: {  	[bflag:$0x0] =	sbarrier.arrive $0xFFFF  }
0x3a: {  	p0 =	sne.s32 s1, $0x0;
	_ =	strace $0x9000004A  }
0x3b: {  	s0 =	sadd.s32 @!p0 $0x100000, s0;
	[bflag:$0x2] =	sbarrier.arrive $0xFFFF  }
0x3c: {  	[sflag:s0] =	ssyncadd.tile.s32 @!p0 $0x1;
	_ =	shalt  }
.Lfunc_end2:
_tile_overlayer_lowered:
.L_overlay_start_2:
0x3d: {  	(tag) =	ssettag $0x2  }
0x3e: {  	s0 =	rddreg [dreg:$0x0];
	s2 =	stileid.u32  }
0x3f: {  	s1 =	rddreg [dreg:$0x1];
	p0 =	sne.s32 s2, $0x0  }
0x40: {  	s3 =	rddreg [dreg:$0x2];
	[bflag:$0x3] =	sbarrier.arrive $0xFFFF;
	s2 =	simm.s32 @!p0 $0x1C01  }
0x41: {  	[timem:s3], [sflag:s2] =	dma.local @!p0 [hbm:s0], s1  }
0x42: {  	s0 =	simm.s32 @!p0 $0x1  }
0x43: {  	_ =	swait.ge @!p0 [sflag:s0], s1  }
0x44: {  	s1 =	ssub.s32 @!p0 $0x0, s1;
	[sflag:s0] =	ssyncset.done @!p0 $0x0  }
0x45: {  	[sflag:s0] =	ssyncadd.s32 @!p0 s1  }
0x46: {  	[bflag:$0x3] =	sbarrier.arrive $0xFFFF  }
0x47: {  	_ =	shalt  }

</sc_bundles>
